<compile_context>
chip_gen: v7x
topology: tpu7x:2x2x1
jax: 0.10.2.dev20260603
libtpu: 0.0.44.dev20260713+nightly
codegen_flags: <defaults>
</compile_context>

<pallas_src>
import functools

import jax
import jax.numpy as jnp
from jax import lax
from jax.experimental import pallas as pl
from jax.experimental.pallas import tpu as pltpu
from jax.experimental.pallas import tpu_sc as plsc

EMB_DIM = 64
PART_DIM = 128

NUM_SC_CORES = 2
NUM_SC_SUBCORES = 16
NUM_WORKERS = NUM_SC_CORES * NUM_SC_SUBCORES
LANES = 16


def _tc_project(table_t, w1, w2, b2d, blk):
    vocab = table_t.shape[1]
    nb = (vocab + blk - 1) // blk

    def proj_kernel(t_ref, w1_ref, w2_ref, b_ref, o1_ref, o2_ref):
        tb = t_ref[...]
        acc1 = lax.dot_general(
            tb, w1_ref[...], (((0,), (1,)), ((), ())),
            preferred_element_type=jnp.float32,
        )
        o1_ref[...] = acc1 + b_ref[...]
        o2_ref[...] = lax.dot_general(
            tb, w2_ref[...], (((0,), (1,)), ((), ())),
            preferred_element_type=jnp.float32,
        )

    return pl.pallas_call(
        proj_kernel,
        grid=(nb,),
        in_specs=[
            pl.BlockSpec((EMB_DIM, blk), lambda i: (0, i)),
            pl.BlockSpec((PART_DIM, EMB_DIM), lambda i: (0, 0)),
            pl.BlockSpec((PART_DIM, EMB_DIM), lambda i: (0, 0)),
            pl.BlockSpec((1, PART_DIM), lambda i: (0, 0)),
        ],
        out_specs=[
            pl.BlockSpec((blk, PART_DIM), lambda i: (i, 0)),
            pl.BlockSpec((blk, PART_DIM), lambda i: (i, 0)),
        ],
        out_shape=[
            jax.ShapeDtypeStruct((vocab, PART_DIM), jnp.float32),
            jax.ShapeDtypeStruct((vocab, PART_DIM), jnp.float32),
        ],
    )(table_t, w1, w2, b2d)


def _sc_gather_combine(idx_a, idx_m, t1, t2, chunk):
    n = idx_a.shape[0]
    per_w = n // NUM_WORKERS
    n_chunks = per_w // chunk
    nslots = 2
    ni = 2
    assert per_w % chunk == 0 and chunk % 8 == 0 and n_chunks % nslots == 0

    mesh = plsc.VectorSubcoreMesh(core_axis_name="c", subcore_axis_name="s")

    row_buf = lambda: pltpu.VMEM((chunk, PART_DIM), jnp.float32)
    idx_buf = lambda: pltpu.VMEM((chunk,), jnp.int32)

    @functools.partial(
        pl.kernel,
        mesh=mesh,
        out_type=jax.ShapeDtypeStruct((n, PART_DIM), jnp.float32),
        scratch_types=[
            [idx_buf() for _ in range(ni)],
            [idx_buf() for _ in range(ni)],
            [row_buf() for _ in range(nslots)],
            [row_buf() for _ in range(nslots)],
            [row_buf() for _ in range(nslots)],
            [pltpu.SemaphoreType.DMA] * ni,
            [pltpu.SemaphoreType.DMA] * nslots,
            [pltpu.SemaphoreType.DMA] * nslots,
            [pltpu.SemaphoreType.DMA] * nslots,
        ],
    )
    def gather_k(idxa_hbm, idxm_hbm, t1_hbm, t2_hbm, out_hbm,
                 idxa_v, idxm_v, rows1_v, rows2_v, out_v, isem, gs1, gs2,
                 os):
        wid = lax.axis_index("s") * NUM_SC_CORES + lax.axis_index("c")
        w_base = wid * per_w

        def load_idx(g, si):
            base = w_base + g * chunk
            pltpu.async_copy(idxa_hbm.at[pl.ds(base, chunk)], idxa_v[si],
                             isem[si])
            pltpu.async_copy(idxm_hbm.at[pl.ds(base, chunk)], idxm_v[si],
                             isem[si])

        def wait_idx(g, si):
            base = w_base + g * chunk
            pltpu.make_async_copy(idxa_hbm.at[pl.ds(base, chunk)],
                                  idxa_v[si], isem[si]).wait()
            pltpu.make_async_copy(idxm_hbm.at[pl.ds(base, chunk)],
                                  idxm_v[si], isem[si]).wait()

        def fire(g, s, si):
            wait_idx(g, si)
            pltpu.async_copy(t1_hbm.at[idxa_v[si]], rows1_v[s], gs1[s])
            pltpu.async_copy(t2_hbm.at[idxm_v[si]], rows2_v[s], gs2[s])

        def handle(g, s):
            @pl.when(g + 1 < n_chunks)
            def _():
                fire(g + 1, s ^ 1, s ^ 1)

            pltpu.make_async_copy(t1_hbm.at[idxa_v[s]], rows1_v[s],
                                  gs1[s]).wait()
            pltpu.make_async_copy(t2_hbm.at[idxm_v[s]], rows2_v[s],
                                  gs2[s]).wait()

            @pl.when(g + 2 < n_chunks)
            def _():
                load_idx(g + 2, s)

            @pl.when(g >= 2)
            def _():
                prev = w_base + (g - 2) * chunk
                pltpu.make_async_copy(
                    out_v[s], out_hbm.at[pl.ds(prev, chunk)], os[s]).wait()

            def row_body(j, carry):
                for c in range(PART_DIM // LANES):
                    sl = pl.ds(c * LANES, LANES)
                    v = rows1_v[s][j, sl] + rows2_v[s][j, sl]
                    out_v[s][j, sl] = jnp.maximum(v, 0.0)
                return carry

            lax.fori_loop(0, chunk, row_body, 0, unroll=False)
            base = w_base + g * chunk
            pltpu.async_copy(out_v[s], out_hbm.at[pl.ds(base, chunk)],
                             os[s])

        load_idx(0, 0)
        load_idx(1, 1)
        fire(0, 0, 0)

        def body(i, carry):
            handle(2 * i, 0)
            handle(2 * i + 1, 1)
            return carry

        lax.fori_loop(0, n_chunks // 2, body, 0, unroll=False)
        for s in (0, 1):
            last = w_base + (n_chunks - 2 + s) * chunk
            pltpu.make_async_copy(
                out_v[s], out_hbm.at[pl.ds(last, chunk)], os[s]).wait()

    return gather_k(idx_a, idx_m, t1, t2)


def kernel(parts, aff_table, mat_table, W, b):
    B, L, _ = parts.shape
    pt = jnp.transpose(parts, (1, 2, 0)).astype(jnp.int32)
    idx_a = pt[:, 0, :].reshape(-1)
    idx_m = pt[:, 1, :].reshape(-1)
    w1 = W[:, :EMB_DIM]
    w2 = W[:, EMB_DIM:]
    t1, t2 = _tc_project(aff_table.T, w1, w2, b.reshape(1, PART_DIM),
                         blk=2048)
    out_t = _sc_gather_combine(idx_a, idx_m, t1, t2, chunk=160)
    return jnp.transpose(out_t.reshape(L, B, PART_DIM), (1, 0, 2))

# --- scband reference (transcript-rebuilt; emitter-appended) ---
"""Pipeline reference for scband-part-encoder-8942121910483 (READ-ONLY COPY).

The authoritative reference and input builder live on the scoring server;
editing this copy changes nothing except your own understanding.
"""

import jax, jax.numpy as jnp
import numpy as np

VOCAB = 100000
EMB_DIM = 64
PART_DIM = 128
B, L = 4096, 50

def setup_inputs(seed: int = 0) -> dict:
    key = jax.random.key(seed)
    k1, k2, k3, k4, k5 = jax.random.split(key, 5)
    parts = jax.random.randint(k1, (B, L, 2), 0, VOCAB, dtype=jnp.int64 if jax.config.jax_enable_x64 else jnp.int32)
    aff_table = jax.random.normal(k2, (VOCAB, EMB_DIM), dtype=jnp.float32)
    aff_table = aff_table.at[0].set(0.0)  # padding_idx=0
    mat_table = jax.random.normal(k3, (VOCAB, EMB_DIM), dtype=jnp.float32)
    mat_table = mat_table.at[0].set(0.0)  # padding_idx=0
    W = jax.random.normal(k4, (PART_DIM, 2 * EMB_DIM), dtype=jnp.float32) * 0.05
    b = jax.random.normal(k5, (PART_DIM,), dtype=jnp.float32) * 0.05
    return {"parts": parts, "aff_table": aff_table, "mat_table": mat_table, "W": W, "b": b}

def reference(parts, aff_table, mat_table, W, b):
    # padding_idx=0: row 0 of the table contributes zeros
    t = aff_table.at[0].set(0.0)
    # NOTE: faithful to the original torch code, which uses the
    # affordance table for BOTH lookups (material_embeddings is unused).
    affordance_embeds = jnp.take(t, parts[:, :, 0], axis=0)
    material_embeds = jnp.take(t, parts[:, :, 1], axis=0)
    part_embeds = jnp.concatenate((affordance_embeds, material_embeds), axis=-1)
    part_encodes = jax.nn.relu(part_embeds @ W.T + b)
    return part_encodes

if __name__ == "__main__":
    import jax
    _d = setup_inputs()
    print(jax.jit(kernel)(*tuple(_d.values())))

</pallas_src>

<mosaic_0001>
#map = affine_map<(d0, d1) -> (0)>
#map1 = affine_map<(d0, d1) -> (0, 0)>
module attributes {stable_mosaic.version = 14 : i64} {
  func.func @gather_k(%arg0: i32, %arg1: i32, %arg2: memref<204800xi32, #tpu.memory_space<hbm>>, %arg3: memref<204800xi32, #tpu.memory_space<hbm>>, %arg4: memref<100000x128xf32, #tpu.memory_space<hbm>>, %arg5: memref<100000x128xf32, #tpu.memory_space<hbm>>, %arg6: memref<204800x128xf32, #tpu.memory_space<hbm>>, %arg7: memref<160xi32, #tpu.memory_space<vmem>>, %arg8: memref<160xi32, #tpu.memory_space<vmem>>, %arg9: memref<160xi32, #tpu.memory_space<vmem>>, %arg10: memref<160xi32, #tpu.memory_space<vmem>>, %arg11: memref<160x128xf32, #tpu.memory_space<vmem>>, %arg12: memref<160x128xf32, #tpu.memory_space<vmem>>, %arg13: memref<160x128xf32, #tpu.memory_space<vmem>>, %arg14: memref<160x128xf32, #tpu.memory_space<vmem>>, %arg15: memref<160x128xf32, #tpu.memory_space<vmem>>, %arg16: memref<160x128xf32, #tpu.memory_space<vmem>>, %arg17: memref<!tpu.dma_semaphore, #tpu.memory_space<semaphore_mem>>, %arg18: memref<!tpu.dma_semaphore, #tpu.memory_space<semaphore_mem>>, %arg19: memref<!tpu.dma_semaphore, #tpu.memory_space<semaphore_mem>>, %arg20: memref<!tpu.dma_semaphore, #tpu.memory_space<semaphore_mem>>, %arg21: memref<!tpu.dma_semaphore, #tpu.memory_space<semaphore_mem>>, %arg22: memref<!tpu.dma_semaphore, #tpu.memory_space<semaphore_mem>>, %arg23: memref<!tpu.dma_semaphore, #tpu.memory_space<semaphore_mem>>, %arg24: memref<!tpu.dma_semaphore, #tpu.memory_space<semaphore_mem>>) attributes {dimension_semantics = [#tpu.dimension_semantics<core_parallel>, #tpu.dimension_semantics<subcore_parallel>], iteration_bounds = array<i64: 2, 16>, scalar_prefetch = 0 : i64, scratch_operands = 18 : i64, tpu.core_type = #tpu.core_type<sc_vector_subcore>, window_params = [{transform_indices = #map}, {transform_indices = #map}, {transform_indices = #map1}, {transform_indices = #map1}, {transform_indices = #map1}]} {
    %mul3A = arith.constant 2 : i32
    %mul3A_0 = arith.muli %arg1, %mul3A : i32
    %add3A = arith.addi %mul3A_0, %arg0 : i32
    %mul3A_1 = arith.constant 6400 : i32
    %mul3A_2 = arith.muli %add3A, %mul3A_1 : i32
    %add3A_3 = arith.constant 0 : i32
    %add3A_4 = arith.addi %mul3A_2, %add3A_3 : i32
    %dma_start3A = tpu.memref_slice %arg2[%add3A_4] : memref<204800xi32, #tpu.memory_space<hbm>> -> memref<160xi32, #tpu.memory_space<hbm>>
    %dma_start3A_5 = tpu.memref_slice %arg2[%add3A_4] : memref<204800xi32, #tpu.memory_space<hbm>> -> memref<160xi32, #tpu.memory_space<hbm>>
    tpu.enqueue_dma source(%dma_start3A_5 : memref<160xi32, #tpu.memory_space<hbm>>) target(%arg7 : memref<160xi32, #tpu.memory_space<vmem>>) target_semaphore(%arg17 : memref<!tpu.dma_semaphore, #tpu.memory_space<semaphore_mem>>)
    %dma_start3A_6 = tpu.memref_slice %arg3[%add3A_4] : memref<204800xi32, #tpu.memory_space<hbm>> -> memref<160xi32, #tpu.memory_space<hbm>>
    %dma_start3A_7 = tpu.memref_slice %arg3[%add3A_4] : memref<204800xi32, #tpu.memory_space<hbm>> -> memref<160xi32, #tpu.memory_space<hbm>>
    tpu.enqueue_dma source(%dma_start3A_7 : memref<160xi32, #tpu.memory_space<hbm>>) target(%arg9 : memref<160xi32, #tpu.memory_space<vmem>>) target_semaphore(%arg17 : memref<!tpu.dma_semaphore, #tpu.memory_space<semaphore_mem>>)
    %add3A_8 = arith.constant 160 : i32
    %add3A_9 = arith.addi %mul3A_2, %add3A_8 : i32
    %dma_start3A_10 = tpu.memref_slice %arg2[%add3A_9] : memref<204800xi32, #tpu.memory_space<hbm>> -> memref<160xi32, #tpu.memory_space<hbm>>
    %dma_start3A_11 = tpu.memref_slice %arg2[%add3A_9] : memref<204800xi32, #tpu.memory_space<hbm>> -> memref<160xi32, #tpu.memory_space<hbm>>
    tpu.enqueue_dma source(%dma_start3A_11 : memref<160xi32, #tpu.memory_space<hbm>>) target(%arg8 : memref<160xi32, #tpu.memory_space<vmem>>) target_semaphore(%arg18 : memref<!tpu.dma_semaphore, #tpu.memory_space<semaphore_mem>>)
    %dma_start3A_12 = tpu.memref_slice %arg3[%add3A_9] : memref<204800xi32, #tpu.memory_space<hbm>> -> memref<160xi32, #tpu.memory_space<hbm>>
    %dma_start3A_13 = tpu.memref_slice %arg3[%add3A_9] : memref<204800xi32, #tpu.memory_space<hbm>> -> memref<160xi32, #tpu.memory_space<hbm>>
    tpu.enqueue_dma source(%dma_start3A_13 : memref<160xi32, #tpu.memory_space<hbm>>) target(%arg10 : memref<160xi32, #tpu.memory_space<vmem>>) target_semaphore(%arg18 : memref<!tpu.dma_semaphore, #tpu.memory_space<semaphore_mem>>)
    %add3A_14 = arith.constant 0 : i32
    %add3A_15 = arith.addi %mul3A_2, %add3A_14 : i32
    %dma_wait3A = tpu.memref_slice %arg2[%add3A_15] : memref<204800xi32, #tpu.memory_space<hbm>> -> memref<160xi32, #tpu.memory_space<hbm>>
    %dma_wait3A_16 = tpu.memref_slice %arg2[%add3A_15] : memref<204800xi32, #tpu.memory_space<hbm>> -> memref<160xi32, #tpu.memory_space<hbm>>
    tpu.wait_dma2 semaphore(%arg17 : memref<!tpu.dma_semaphore, #tpu.memory_space<semaphore_mem>>) src(%dma_wait3A_16 : memref<160xi32, #tpu.memory_space<hbm>>) dst(%arg7 : memref<160xi32, #tpu.memory_space<vmem>>)
    %dma_wait3A_17 = tpu.memref_slice %arg3[%add3A_15] : memref<204800xi32, #tpu.memory_space<hbm>> -> memref<160xi32, #tpu.memory_space<hbm>>
    %dma_wait3A_18 = tpu.memref_slice %arg3[%add3A_15] : memref<204800xi32, #tpu.memory_space<hbm>> -> memref<160xi32, #tpu.memory_space<hbm>>
    tpu.wait_dma2 semaphore(%arg17 : memref<!tpu.dma_semaphore, #tpu.memory_space<semaphore_mem>>) src(%dma_wait3A_18 : memref<160xi32, #tpu.memory_space<hbm>>) dst(%arg9 : memref<160xi32, #tpu.memory_space<vmem>>)
    %dma_start3A_19 = arith.constant 0 : i32
    %dma_start3A_20 = arith.constant 0 : i32
    %dma_start3A_21 = tpu.memref_slice %arg4[%dma_start3A_19, %dma_start3A_20] : memref<100000x128xf32, #tpu.memory_space<hbm>> -> memref<100000x128xf32, #tpu.memory_space<hbm>>
    tpu.enqueue_indirect_dma source(%dma_start3A_21 : memref<100000x128xf32, #tpu.memory_space<hbm>>) target(%arg11 : memref<160x128xf32, #tpu.memory_space<vmem>>) offsets(%arg7 : memref<160xi32, #tpu.memory_space<vmem>>) semaphore(%arg19 : memref<!tpu.dma_semaphore, #tpu.memory_space<semaphore_mem>>)
    %dma_start3A_22 = arith.constant 0 : i32
    %dma_start3A_23 = arith.constant 0 : i32
    %dma_start3A_24 = tpu.memref_slice %arg5[%dma_start3A_22, %dma_start3A_23] : memref<100000x128xf32, #tpu.memory_space<hbm>> -> memref<100000x128xf32, #tpu.memory_space<hbm>>
    tpu.enqueue_indirect_dma source(%dma_start3A_24 : memref<100000x128xf32, #tpu.memory_space<hbm>>) target(%arg13 : memref<160x128xf32, #tpu.memory_space<vmem>>) offsets(%arg9 : memref<160xi32, #tpu.memory_space<vmem>>) semaphore(%arg21 : memref<!tpu.dma_semaphore, #tpu.memory_space<semaphore_mem>>)
    %scan3A = arith.constant 0 : i32
    %scan3A_25 = arith.constant 0 : i32
    %scan3A_26 = arith.constant 20 : i32
    %scan3A_27 = arith.addi %scan3A_25, %scan3A_26 : i32
    %scan3A_28 = arith.constant 1 : i32
    scf.for %scan3A_42 = %scan3A_25 to %scan3A_27 step %scan3A_28  : i32 {
      %mul3A_43 = arith.constant 2 : i32
      %mul3A_44 = arith.muli %mul3A_43, %scan3A_42 : i32
      %add3A_45 = arith.constant 1 : i32
      %add3A_46 = arith.addi %mul3A_44, %add3A_45 : i32
      %lt3A = arith.constant 40 : i32
      %lt3A_47 = arith.cmpi slt, %add3A_46, %lt3A : i32
      %convert_element_type3A = arith.extui %lt3A_47 : i1 to i32
      %cond3A = arith.constant 0 : i32
      %cond3A_48 = arith.cmpi ne, %convert_element_type3A, %cond3A : i32
      scf.if %cond3A_48 {
        %add3A_121 = arith.constant 1 : i32
        %add3A_122 = arith.addi %mul3A_44, %add3A_121 : i32
        %mul3A_123 = arith.constant 160 : i32
        %mul3A_124 = arith.muli %add3A_122, %mul3A_123 : i32
        %add3A_125 = arith.addi %mul3A_2, %mul3A_124 : i32
        %dma_wait3A_126 = tpu.memref_slice %arg2[%add3A_125] : memref<204800xi32, #tpu.memory_space<hbm>> -> memref<160xi32, #tpu.memory_space<hbm>>
        %dma_wait3A_127 = tpu.memref_slice %arg2[%add3A_125] : memref<204800xi32, #tpu.memory_space<hbm>> -> memref<160xi32, #tpu.memory_space<hbm>>
        tpu.wait_dma2 semaphore(%arg18 : memref<!tpu.dma_semaphore, #tpu.memory_space<semaphore_mem>>) src(%dma_wait3A_127 : memref<160xi32, #tpu.memory_space<hbm>>) dst(%arg8 : memref<160xi32, #tpu.memory_space<vmem>>)
        %dma_wait3A_128 = tpu.memref_slice %arg3[%add3A_125] : memref<204800xi32, #tpu.memory_space<hbm>> -> memref<160xi32, #tpu.memory_space<hbm>>
        %dma_wait3A_129 = tpu.memref_slice %arg3[%add3A_125] : memref<204800xi32, #tpu.memory_space<hbm>> -> memref<160xi32, #tpu.memory_space<hbm>>
        tpu.wait_dma2 semaphore(%arg18 : memref<!tpu.dma_semaphore, #tpu.memory_space<semaphore_mem>>) src(%dma_wait3A_129 : memref<160xi32, #tpu.memory_space<hbm>>) dst(%arg10 : memref<160xi32, #tpu.memory_space<vmem>>)
        %dma_start3A_130 = arith.constant 0 : i32
        %dma_start3A_131 = arith.constant 0 : i32
        %dma_start3A_132 = tpu.memref_slice %arg4[%dma_start3A_130, %dma_start3A_131] : memref<100000x128xf32, #tpu.memory_space<hbm>> -> memref<100000x128xf32, #tpu.memory_space<hbm>>
        tpu.enqueue_indirect_dma source(%dma_start3A_132 : memref<100000x128xf32, #tpu.memory_space<hbm>>) target(%arg12 : memref<160x128xf32, #tpu.memory_space<vmem>>) offsets(%arg8 : memref<160xi32, #tpu.memory_space<vmem>>) semaphore(%arg20 : memref<!tpu.dma_semaphore, #tpu.memory_space<semaphore_mem>>)
        %dma_start3A_133 = arith.constant 0 : i32
        %dma_start3A_134 = arith.constant 0 : i32
        %dma_start3A_135 = tpu.memref_slice %arg5[%dma_start3A_133, %dma_start3A_134] : memref<100000x128xf32, #tpu.memory_space<hbm>> -> memref<100000x128xf32, #tpu.memory_space<hbm>>
        tpu.enqueue_indirect_dma source(%dma_start3A_135 : memref<100000x128xf32, #tpu.memory_space<hbm>>) target(%arg14 : memref<160x128xf32, #tpu.memory_space<vmem>>) offsets(%arg10 : memref<160xi32, #tpu.memory_space<vmem>>) semaphore(%arg22 : memref<!tpu.dma_semaphore, #tpu.memory_space<semaphore_mem>>)
      } else {
      }
      %dma_wait3A_49 = arith.constant 0 : i32
      %dma_wait3A_50 = arith.constant 0 : i32
      %dma_wait3A_51 = tpu.memref_slice %arg4[%dma_wait3A_49, %dma_wait3A_50] : memref<100000x128xf32, #tpu.memory_space<hbm>> -> memref<100000x128xf32, #tpu.memory_space<hbm>>
      tpu.wait_indirect_dma semaphore(%arg19 : memref<!tpu.dma_semaphore, #tpu.memory_space<semaphore_mem>>) src(%dma_wait3A_51 : memref<100000x128xf32, #tpu.memory_space<hbm>>) dst(%arg11 : memref<160x128xf32, #tpu.memory_space<vmem>>)
      %dma_wait3A_52 = arith.constant 0 : i32
      %dma_wait3A_53 = arith.constant 0 : i32
      %dma_wait3A_54 = tpu.memref_slice %arg5[%dma_wait3A_52, %dma_wait3A_53] : memref<100000x128xf32, #tpu.memory_space<hbm>> -> memref<100000x128xf32, #tpu.memory_space<hbm>>
      tpu.wait_indirect_dma semaphore(%arg21 : memref<!tpu.dma_semaphore, #tpu.memory_space<semaphore_mem>>) src(%dma_wait3A_54 : memref<100000x128xf32, #tpu.memory_space<hbm>>) dst(%arg13 : memref<160x128xf32, #tpu.memory_space<vmem>>)
      %add3A_55 = arith.constant 2 : i32
      %add3A_56 = arith.addi %mul3A_44, %add3A_55 : i32
      %lt3A_57 = arith.constant 40 : i32
      %lt3A_58 = arith.cmpi slt, %add3A_56, %lt3A_57 : i32
      %convert_element_type3A_59 = arith.extui %lt3A_58 : i1 to i32
      %cond3A_60 = arith.constant 0 : i32
      %cond3A_61 = arith.cmpi ne, %convert_element_type3A_59, %cond3A_60 : i32
      scf.if %cond3A_61 {
        %add3A_121 = arith.constant 2 : i32
        %add3A_122 = arith.addi %mul3A_44, %add3A_121 : i32
        %mul3A_123 = arith.constant 160 : i32
        %mul3A_124 = arith.muli %add3A_122, %mul3A_123 : i32
        %add3A_125 = arith.addi %mul3A_2, %mul3A_124 : i32
        %dma_start3A_126 = tpu.memref_slice %arg2[%add3A_125] : memref<204800xi32, #tpu.memory_space<hbm>> -> memref<160xi32, #tpu.memory_space<hbm>>
        %dma_start3A_127 = tpu.memref_slice %arg2[%add3A_125] : memref<204800xi32, #tpu.memory_space<hbm>> -> memref<160xi32, #tpu.memory_space<hbm>>
        tpu.enqueue_dma source(%dma_start3A_127 : memref<160xi32, #tpu.memory_space<hbm>>) target(%arg7 : memref<160xi32, #tpu.memory_space<vmem>>) target_semaphore(%arg17 : memref<!tpu.dma_semaphore, #tpu.memory_space<semaphore_mem>>)
        %dma_start3A_128 = tpu.memref_slice %arg3[%add3A_125] : memref<204800xi32, #tpu.memory_space<hbm>> -> memref<160xi32, #tpu.memory_space<hbm>>
        %dma_start3A_129 = tpu.memref_slice %arg3[%add3A_125] : memref<204800xi32, #tpu.memory_space<hbm>> -> memref<160xi32, #tpu.memory_space<hbm>>
        tpu.enqueue_dma source(%dma_start3A_129 : memref<160xi32, #tpu.memory_space<hbm>>) target(%arg9 : memref<160xi32, #tpu.memory_space<vmem>>) target_semaphore(%arg17 : memref<!tpu.dma_semaphore, #tpu.memory_space<semaphore_mem>>)
      } else {
      }
      %ge3A = arith.constant 2 : i32
      %ge3A_62 = arith.cmpi sge, %mul3A_44, %ge3A : i32
      %convert_element_type3A_63 = arith.extui %ge3A_62 : i1 to i32
      %cond3A_64 = arith.constant 0 : i32
      %cond3A_65 = arith.cmpi ne, %convert_element_type3A_63, %cond3A_64 : i32
      scf.if %cond3A_65 {
        %sub3A = arith.constant 2 : i32
        %sub3A_121 = arith.subi %mul3A_44, %sub3A : i32
        %mul3A_122 = arith.constant 160 : i32
        %mul3A_123 = arith.muli %sub3A_121, %mul3A_122 : i32
        %add3A_124 = arith.addi %mul3A_2, %mul3A_123 : i32
        %dma_wait3A_125 = arith.constant 0 : i32
        %dma_wait3A_126 = tpu.memref_slice %arg6[%add3A_124, %dma_wait3A_125] : memref<204800x128xf32, #tpu.memory_space<hbm>> -> memref<160x128xf32, #tpu.memory_space<hbm>>
        %dma_wait3A_127 = arith.constant 0 : i32
        %dma_wait3A_128 = tpu.memref_slice %arg6[%add3A_124, %dma_wait3A_127] : memref<204800x128xf32, #tpu.memory_space<hbm>> -> memref<160x128xf32, #tpu.memory_space<hbm>>
        tpu.wait_dma2 semaphore(%arg23 : memref<!tpu.dma_semaphore, #tpu.memory_space<semaphore_mem>>) src(%arg15 : memref<160x128xf32, #tpu.memory_space<vmem>>) dst(%dma_wait3A_128 : memref<160x128xf32, #tpu.memory_space<hbm>>)
      } else {
      }
      %scan3A_66 = arith.constant 0 : i32
      %scan3A_67 = arith.constant 0 : i32
      %scan3A_68 = arith.constant 160 : i32
      %scan3A_69 = arith.addi %scan3A_67, %scan3A_68 : i32
      %scan3A_70 = arith.constant 1 : i32
      scf.for %scan3A_121 = %scan3A_67 to %scan3A_69 step %scan3A_70  : i32 {
        %get3A = arith.index_cast %scan3A_121 : i32 to index
        %get3A_122 = arith.constant 0 : index
        %get3A_123 = tpu.vector_load %arg11[%get3A, %get3A_122] {strides = array<i32>} : memref<160x128xf32, #tpu.memory_space<vmem>>, vector<1x16xf32>,
        %get3A_124 = vector.shape_cast %get3A_123 : vector<1x16xf32> to vector<16xf32>
        %get3A_125 = arith.index_cast %scan3A_121 : i32 to index
        %get3A_126 = arith.constant 0 : index
        %get3A_127 = tpu.vector_load %arg13[%get3A_125, %get3A_126] {strides = array<i32>} : memref<160x128xf32, #tpu.memory_space<vmem>>, vector<1x16xf32>,
        %get3A_128 = vector.shape_cast %get3A_127 : vector<1x16xf32> to vector<16xf32>
        %add3A_129 = arith.addf %get3A_124, %get3A_128 : vector<16xf32>
        %max3A = arith.constant 0.000000e+00 : f32
        %max3A_130 = vector.broadcast %max3A : f32 to vector<16xf32>
        %max3A_131 = arith.maximumf %add3A_129, %max3A_130 : vector<16xf32>
        %swap3A = arith.index_cast %scan3A_121 : i32 to index
        %swap3A_132 = arith.constant 0 : index
        %swap3A_133 = tpu.vector_load %arg15[%swap3A, %swap3A_132] {strides = array<i32>} : memref<160x128xf32, #tpu.memory_space<vmem>>, vector<1x16xf32>,
        %swap3A_134 = vector.shape_cast %swap3A_133 : vector<1x16xf32> to vector<16xf32>
        %swap3A_135 = vector.shape_cast %max3A_131 : vector<16xf32> to vector<1x16xf32>
        tpu.vector_store %arg15[%swap3A, %swap3A_132], %swap3A_135 {strides = array<i32>} : memref<160x128xf32, #tpu.memory_space<vmem>>, vector<1x16xf32>,
        %get3A_136 = arith.index_cast %scan3A_121 : i32 to index
        %get3A_137 = arith.constant 16 : index
        %get3A_138 = tpu.vector_load %arg11[%get3A_136, %get3A_137] {strides = array<i32>} : memref<160x128xf32, #tpu.memory_space<vmem>>, vector<1x16xf32>,
        %get3A_139 = vector.shape_cast %get3A_138 : vector<1x16xf32> to vector<16xf32>
        %get3A_140 = arith.index_cast %scan3A_121 : i32 to index
        %get3A_141 = arith.constant 16 : index
        %get3A_142 = tpu.vector_load %arg13[%get3A_140, %get3A_141] {strides = array<i32>} : memref<160x128xf32, #tpu.memory_space<vmem>>, vector<1x16xf32>,
        %get3A_143 = vector.shape_cast %get3A_142 : vector<1x16xf32> to vector<16xf32>
        %add3A_144 = arith.addf %get3A_139, %get3A_143 : vector<16xf32>
        %max3A_145 = arith.constant 0.000000e+00 : f32
        %max3A_146 = vector.broadcast %max3A_145 : f32 to vector<16xf32>
        %max3A_147 = arith.maximumf %add3A_144, %max3A_146 : vector<16xf32>
        %swap3A_148 = arith.index_cast %scan3A_121 : i32 to index
        %swap3A_149 = arith.constant 16 : index
        %swap3A_150 = tpu.vector_load %arg15[%swap3A_148, %swap3A_149] {strides = array<i32>} : memref<160x128xf32, #tpu.memory_space<vmem>>, vector<1x16xf32>,
        %swap3A_151 = vector.shape_cast %swap3A_150 : vector<1x16xf32> to vector<16xf32>
        %swap3A_152 = vector.shape_cast %max3A_147 : vector<16xf32> to vector<1x16xf32>
        tpu.vector_store %arg15[%swap3A_148, %swap3A_149], %swap3A_152 {strides = array<i32>} : memref<160x128xf32, #tpu.memory_space<vmem>>, vector<1x16xf32>,
        %get3A_153 = arith.index_cast %scan3A_121 : i32 to index
        %get3A_154 = arith.constant 32 : index
        %get3A_155 = tpu.vector_load %arg11[%get3A_153, %get3A_154] {strides = array<i32>} : memref<160x128xf32, #tpu.memory_space<vmem>>, vector<1x16xf32>,
        %get3A_156 = vector.shape_cast %get3A_155 : vector<1x16xf32> to vector<16xf32>
        %get3A_157 = arith.index_cast %scan3A_121 : i32 to index
        %get3A_158 = arith.constant 32 : index
        %get3A_159 = tpu.vector_load %arg13[%get3A_157, %get3A_158] {strides = array<i32>} : memref<160x128xf32, #tpu.memory_space<vmem>>, vector<1x16xf32>,
        %get3A_160 = vector.shape_cast %get3A_159 : vector<1x16xf32> to vector<16xf32>
        %add3A_161 = arith.addf %get3A_156, %get3A_160 : vector<16xf32>
        %max3A_162 = arith.constant 0.000000e+00 : f32
        %max3A_163 = vector.broadcast %max3A_162 : f32 to vector<16xf32>
        %max3A_164 = arith.maximumf %add3A_161, %max3A_163 : vector<16xf32>
        %swap3A_165 = arith.index_cast %scan3A_121 : i32 to index
        %swap3A_166 = arith.constant 32 : index
        %swap3A_167 = tpu.vector_load %arg15[%swap3A_165, %swap3A_166] {strides = array<i32>} : memref<160x128xf32, #tpu.memory_space<vmem>>, vector<1x16xf32>,
        %swap3A_168 = vector.shape_cast %swap3A_167 : vector<1x16xf32> to vector<16xf32>
        %swap3A_169 = vector.shape_cast %max3A_164 : vector<16xf32> to vector<1x16xf32>
        tpu.vector_store %arg15[%swap3A_165, %swap3A_166], %swap3A_169 {strides = array<i32>} : memref<160x128xf32, #tpu.memory_space<vmem>>, vector<1x16xf32>,
        %get3A_170 = arith.index_cast %scan3A_121 : i32 to index
        %get3A_171 = arith.constant 48 : index
        %get3A_172 = tpu.vector_load %arg11[%get3A_170, %get3A_171] {strides = array<i32>} : memref<160x128xf32, #tpu.memory_space<vmem>>, vector<1x16xf32>,
        %get3A_173 = vector.shape_cast %get3A_172 : vector<1x16xf32> to vector<16xf32>
        %get3A_174 = arith.index_cast %scan3A_121 : i32 to index
        %get3A_175 = arith.constant 48 : index
        %get3A_176 = tpu.vector_load %arg13[%get3A_174, %get3A_175] {strides = array<i32>} : memref<160x128xf32, #tpu.memory_space<vmem>>, vector<1x16xf32>,
        %get3A_177 = vector.shape_cast %get3A_176 : vector<1x16xf32> to vector<16xf32>
        %add3A_178 = arith.addf %get3A_173, %get3A_177 : vector<16xf32>
        %max3A_179 = arith.constant 0.000000e+00 : f32
        %max3A_180 = vector.broadcast %max3A_179 : f32 to vector<16xf32>
        %max3A_181 = arith.maximumf %add3A_178, %max3A_180 : vector<16xf32>
        %swap3A_182 = arith.index_cast %scan3A_121 : i32 to index
        %swap3A_183 = arith.constant 48 : index
        %swap3A_184 = tpu.vector_load %arg15[%swap3A_182, %swap3A_183] {strides = array<i32>} : memref<160x128xf32, #tpu.memory_space<vmem>>, vector<1x16xf32>,
        %swap3A_185 = vector.shape_cast %swap3A_184 : vector<1x16xf32> to vector<16xf32>
        %swap3A_186 = vector.shape_cast %max3A_181 : vector<16xf32> to vector<1x16xf32>
        tpu.vector_store %arg15[%swap3A_182, %swap3A_183], %swap3A_186 {strides = array<i32>} : memref<160x128xf32, #tpu.memory_space<vmem>>, vector<1x16xf32>,
        %get3A_187 = arith.index_cast %scan3A_121 : i32 to index
        %get3A_188 = arith.constant 64 : index
        %get3A_189 = tpu.vector_load %arg11[%get3A_187, %get3A_188] {strides = array<i32>} : memref<160x128xf32, #tpu.memory_space<vmem>>, vector<1x16xf32>,
        %get3A_190 = vector.shape_cast %get3A_189 : vector<1x16xf32> to vector<16xf32>
        %get3A_191 = arith.index_cast %scan3A_121 : i32 to index
        %get3A_192 = arith.constant 64 : index
        %get3A_193 = tpu.vector_load %arg13[%get3A_191, %get3A_192] {strides = array<i32>} : memref<160x128xf32, #tpu.memory_space<vmem>>, vector<1x16xf32>,
        %get3A_194 = vector.shape_cast %get3A_193 : vector<1x16xf32> to vector<16xf32>
        %add3A_195 = arith.addf %get3A_190, %get3A_194 : vector<16xf32>
        %max3A_196 = arith.constant 0.000000e+00 : f32
        %max3A_197 = vector.broadcast %max3A_196 : f32 to vector<16xf32>
        %max3A_198 = arith.maximumf %add3A_195, %max3A_197 : vector<16xf32>
        %swap3A_199 = arith.index_cast %scan3A_121 : i32 to index
        %swap3A_200 = arith.constant 64 : index
        %swap3A_201 = tpu.vector_load %arg15[%swap3A_199, %swap3A_200] {strides = array<i32>} : memref<160x128xf32, #tpu.memory_space<vmem>>, vector<1x16xf32>,
        %swap3A_202 = vector.shape_cast %swap3A_201 : vector<1x16xf32> to vector<16xf32>
        %swap3A_203 = vector.shape_cast %max3A_198 : vector<16xf32> to vector<1x16xf32>
        tpu.vector_store %arg15[%swap3A_199, %swap3A_200], %swap3A_203 {strides = array<i32>} : memref<160x128xf32, #tpu.memory_space<vmem>>, vector<1x16xf32>,
        %get3A_204 = arith.index_cast %scan3A_121 : i32 to index
        %get3A_205 = arith.constant 80 : index
        %get3A_206 = tpu.vector_load %arg11[%get3A_204, %get3A_205] {strides = array<i32>} : memref<160x128xf32, #tpu.memory_space<vmem>>, vector<1x16xf32>,
        %get3A_207 = vector.shape_cast %get3A_206 : vector<1x16xf32> to vector<16xf32>
        %get3A_208 = arith.index_cast %scan3A_121 : i32 to index
        %get3A_209 = arith.constant 80 : index
        %get3A_210 = tpu.vector_load %arg13[%get3A_208, %get3A_209] {strides = array<i32>} : memref<160x128xf32, #tpu.memory_space<vmem>>, vector<1x16xf32>,
        %get3A_211 = vector.shape_cast %get3A_210 : vector<1x16xf32> to vector<16xf32>
        %add3A_212 = arith.addf %get3A_207, %get3A_211 : vector<16xf32>
        %max3A_213 = arith.constant 0.000000e+00 : f32
        %max3A_214 = vector.broadcast %max3A_213 : f32 to vector<16xf32>
        %max3A_215 = arith.maximumf %add3A_212, %max3A_214 : vector<16xf32>
        %swap3A_216 = arith.index_cast %scan3A_121 : i32 to index
        %swap3A_217 = arith.constant 80 : index
        %swap3A_218 = tpu.vector_load %arg15[%swap3A_216, %swap3A_217] {strides = array<i32>} : memref<160x128xf32, #tpu.memory_space<vmem>>, vector<1x16xf32>,
        %swap3A_219 = vector.shape_cast %swap3A_218 : vector<1x16xf32> to vector<16xf32>
        %swap3A_220 = vector.shape_cast %max3A_215 : vector<16xf32> to vector<1x16xf32>
        tpu.vector_store %arg15[%swap3A_216, %swap3A_217], %swap3A_220 {strides = array<i32>} : memref<160x128xf32, #tpu.memory_space<vmem>>, vector<1x16xf32>,
        %get3A_221 = arith.index_cast %scan3A_121 : i32 to index
        %get3A_222 = arith.constant 96 : index
        %get3A_223 = tpu.vector_load %arg11[%get3A_221, %get3A_222] {strides = array<i32>} : memref<160x128xf32, #tpu.memory_space<vmem>>, vector<1x16xf32>,
        %get3A_224 = vector.shape_cast %get3A_223 : vector<1x16xf32> to vector<16xf32>
        %get3A_225 = arith.index_cast %scan3A_121 : i32 to index
        %get3A_226 = arith.constant 96 : index
        %get3A_227 = tpu.vector_load %arg13[%get3A_225, %get3A_226] {strides = array<i32>} : memref<160x128xf32, #tpu.memory_space<vmem>>, vector<1x16xf32>,
        %get3A_228 = vector.shape_cast %get3A_227 : vector<1x16xf32> to vector<16xf32>
        %add3A_229 = arith.addf %get3A_224, %get3A_228 : vector<16xf32>
        %max3A_230 = arith.constant 0.000000e+00 : f32
        %max3A_231 = vector.broadcast %max3A_230 : f32 to vector<16xf32>
        %max3A_232 = arith.maximumf %add3A_229, %max3A_231 : vector<16xf32>
        %swap3A_233 = arith.index_cast %scan3A_121 : i32 to index
        %swap3A_234 = arith.constant 96 : index
        %swap3A_235 = tpu.vector_load %arg15[%swap3A_233, %swap3A_234] {strides = array<i32>} : memref<160x128xf32, #tpu.memory_space<vmem>>, vector<1x16xf32>,
        %swap3A_236 = vector.shape_cast %swap3A_235 : vector<1x16xf32> to vector<16xf32>
        %swap3A_237 = vector.shape_cast %max3A_232 : vector<16xf32> to vector<1x16xf32>
        tpu.vector_store %arg15[%swap3A_233, %swap3A_234], %swap3A_237 {strides = array<i32>} : memref<160x128xf32, #tpu.memory_space<vmem>>, vector<1x16xf32>,
        %get3A_238 = arith.index_cast %scan3A_121 : i32 to index
        %get3A_239 = arith.constant 112 : index
        %get3A_240 = tpu.vector_load %arg11[%get3A_238, %get3A_239] {strides = array<i32>} : memref<160x128xf32, #tpu.memory_space<vmem>>, vector<1x16xf32>,
        %get3A_241 = vector.shape_cast %get3A_240 : vector<1x16xf32> to vector<16xf32>
        %get3A_242 = arith.index_cast %scan3A_121 : i32 to index
        %get3A_243 = arith.constant 112 : index
        %get3A_244 = tpu.vector_load %arg13[%get3A_242, %get3A_243] {strides = array<i32>} : memref<160x128xf32, #tpu.memory_space<vmem>>, vector<1x16xf32>,
        %get3A_245 = vector.shape_cast %get3A_244 : vector<1x16xf32> to vector<16xf32>
        %add3A_246 = arith.addf %get3A_241, %get3A_245 : vector<16xf32>
        %max3A_247 = arith.constant 0.000000e+00 : f32
        %max3A_248 = vector.broadcast %max3A_247 : f32 to vector<16xf32>
        %max3A_249 = arith.maximumf %add3A_246, %max3A_248 : vector<16xf32>
        %swap3A_250 = arith.index_cast %scan3A_121 : i32 to index
        %swap3A_251 = arith.constant 112 : index
        %swap3A_252 = tpu.vector_load %arg15[%swap3A_250, %swap3A_251] {strides = array<i32>} : memref<160x128xf32, #tpu.memory_space<vmem>>, vector<1x16xf32>,
        %swap3A_253 = vector.shape_cast %swap3A_252 : vector<1x16xf32> to vector<16xf32>
        %swap3A_254 = vector.shape_cast %max3A_249 : vector<16xf32> to vector<1x16xf32>
        tpu.vector_store %arg15[%swap3A_250, %swap3A_251], %swap3A_254 {strides = array<i32>} : memref<160x128xf32, #tpu.memory_space<vmem>>, vector<1x16xf32>,
      }
      %scan3A_71 = arith.constant 160 : i32
      %mul3A_72 = arith.constant 160 : i32
      %mul3A_73 = arith.muli %mul3A_44, %mul3A_72 : i32
      %add3A_74 = arith.addi %mul3A_2, %mul3A_73 : i32
      %dma_start3A_75 = arith.constant 0 : i32
      %dma_start3A_76 = tpu.memref_slice %arg6[%add3A_74, %dma_start3A_75] : memref<204800x128xf32, #tpu.memory_space<hbm>> -> memref<160x128xf32, #tpu.memory_space<hbm>>
      %dma_start3A_77 = arith.constant 0 : i32
      %dma_start3A_78 = tpu.memref_slice %arg6[%add3A_74, %dma_start3A_77] : memref<204800x128xf32, #tpu.memory_space<hbm>> -> memref<160x128xf32, #tpu.memory_space<hbm>>
      tpu.enqueue_dma source(%arg15 : memref<160x128xf32, #tpu.memory_space<vmem>>) target(%dma_start3A_78 : memref<160x128xf32, #tpu.memory_space<hbm>>) target_semaphore(%arg23 : memref<!tpu.dma_semaphore, #tpu.memory_space<semaphore_mem>>)
      %mul3A_79 = arith.constant 2 : i32
      %mul3A_80 = arith.muli %mul3A_79, %scan3A_42 : i32
      %add3A_81 = arith.constant 1 : i32
      %add3A_82 = arith.addi %mul3A_80, %add3A_81 : i32
      %add3A_83 = arith.constant 1 : i32
      %add3A_84 = arith.addi %add3A_82, %add3A_83 : i32
      %lt3A_85 = arith.constant 40 : i32
      %lt3A_86 = arith.cmpi slt, %add3A_84, %lt3A_85 : i32
      %convert_element_type3A_87 = arith.extui %lt3A_86 : i1 to i32
      %cond3A_88 = arith.constant 0 : i32
      %cond3A_89 = arith.cmpi ne, %convert_element_type3A_87, %cond3A_88 : i32
      scf.if %cond3A_89 {
        %add3A_121 = arith.constant 1 : i32
        %add3A_122 = arith.addi %add3A_82, %add3A_121 : i32
        %mul3A_123 = arith.constant 160 : i32
        %mul3A_124 = arith.muli %add3A_122, %mul3A_123 : i32
        %add3A_125 = arith.addi %mul3A_2, %mul3A_124 : i32
        %dma_wait3A_126 = tpu.memref_slice %arg2[%add3A_125] : memref<204800xi32, #tpu.memory_space<hbm>> -> memref<160xi32, #tpu.memory_space<hbm>>
        %dma_wait3A_127 = tpu.memref_slice %arg2[%add3A_125] : memref<204800xi32, #tpu.memory_space<hbm>> -> memref<160xi32, #tpu.memory_space<hbm>>
        tpu.wait_dma2 semaphore(%arg17 : memref<!tpu.dma_semaphore, #tpu.memory_space<semaphore_mem>>) src(%dma_wait3A_127 : memref<160xi32, #tpu.memory_space<hbm>>) dst(%arg7 : memref<160xi32, #tpu.memory_space<vmem>>)
        %dma_wait3A_128 = tpu.memref_slice %arg3[%add3A_125] : memref<204800xi32, #tpu.memory_space<hbm>> -> memref<160xi32, #tpu.memory_space<hbm>>
        %dma_wait3A_129 = tpu.memref_slice %arg3[%add3A_125] : memref<204800xi32, #tpu.memory_space<hbm>> -> memref<160xi32, #tpu.memory_space<hbm>>
        tpu.wait_dma2 semaphore(%arg17 : memref<!tpu.dma_semaphore, #tpu.memory_space<semaphore_mem>>) src(%dma_wait3A_129 : memref<160xi32, #tpu.memory_space<hbm>>) dst(%arg9 : memref<160xi32, #tpu.memory_space<vmem>>)
        %dma_start3A_130 = arith.constant 0 : i32
        %dma_start3A_131 = arith.constant 0 : i32
        %dma_start3A_132 = tpu.memref_slice %arg4[%dma_start3A_130, %dma_start3A_131] : memref<100000x128xf32, #tpu.memory_space<hbm>> -> memref<100000x128xf32, #tpu.memory_space<hbm>>
        tpu.enqueue_indirect_dma source(%dma_start3A_132 : memref<100000x128xf32, #tpu.memory_space<hbm>>) target(%arg11 : memref<160x128xf32, #tpu.memory_space<vmem>>) offsets(%arg7 : memref<160xi32, #tpu.memory_space<vmem>>) semaphore(%arg19 : memref<!tpu.dma_semaphore, #tpu.memory_space<semaphore_mem>>)
        %dma_start3A_133 = arith.constant 0 : i32
        %dma_start3A_134 = arith.constant 0 : i32
        %dma_start3A_135 = tpu.memref_slice %arg5[%dma_start3A_133, %dma_start3A_134] : memref<100000x128xf32, #tpu.memory_space<hbm>> -> memref<100000x128xf32, #tpu.memory_space<hbm>>
        tpu.enqueue_indirect_dma source(%dma_start3A_135 : memref<100000x128xf32, #tpu.memory_space<hbm>>) target(%arg13 : memref<160x128xf32, #tpu.memory_space<vmem>>) offsets(%arg9 : memref<160xi32, #tpu.memory_space<vmem>>) semaphore(%arg21 : memref<!tpu.dma_semaphore, #tpu.memory_space<semaphore_mem>>)
      } else {
      }
      %dma_wait3A_90 = arith.constant 0 : i32
      %dma_wait3A_91 = arith.constant 0 : i32
      %dma_wait3A_92 = tpu.memref_slice %arg4[%dma_wait3A_90, %dma_wait3A_91] : memref<100000x128xf32, #tpu.memory_space<hbm>> -> memref<100000x128xf32, #tpu.memory_space<hbm>>
      tpu.wait_indirect_dma semaphore(%arg20 : memref<!tpu.dma_semaphore, #tpu.memory_space<semaphore_mem>>) src(%dma_wait3A_92 : memref<100000x128xf32, #tpu.memory_space<hbm>>) dst(%arg12 : memref<160x128xf32, #tpu.memory_space<vmem>>)
      %dma_wait3A_93 = arith.constant 0 : i32
      %dma_wait3A_94 = arith.constant 0 : i32
      %dma_wait3A_95 = tpu.memref_slice %arg5[%dma_wait3A_93, %dma_wait3A_94] : memref<100000x128xf32, #tpu.memory_space<hbm>> -> memref<100000x128xf32, #tpu.memory_space<hbm>>
      tpu.wait_indirect_dma semaphore(%arg22 : memref<!tpu.dma_semaphore, #tpu.memory_space<semaphore_mem>>) src(%dma_wait3A_95 : memref<100000x128xf32, #tpu.memory_space<hbm>>) dst(%arg14 : memref<160x128xf32, #tpu.memory_space<vmem>>)
      %add3A_96 = arith.constant 2 : i32
      %add3A_97 = arith.addi %add3A_82, %add3A_96 : i32
      %lt3A_98 = arith.constant 40 : i32
      %lt3A_99 = arith.cmpi slt, %add3A_97, %lt3A_98 : i32
      %convert_element_type3A_100 = arith.extui %lt3A_99 : i1 to i32
      %cond3A_101 = arith.constant 0 : i32
      %cond3A_102 = arith.cmpi ne, %convert_element_type3A_100, %cond3A_101 : i32
      scf.if %cond3A_102 {
        %add3A_121 = arith.constant 2 : i32
        %add3A_122 = arith.addi %add3A_82, %add3A_121 : i32
        %mul3A_123 = arith.constant 160 : i32
        %mul3A_124 = arith.muli %add3A_122, %mul3A_123 : i32
        %add3A_125 = arith.addi %mul3A_2, %mul3A_124 : i32
        %dma_start3A_126 = tpu.memref_slice %arg2[%add3A_125] : memref<204800xi32, #tpu.memory_space<hbm>> -> memref<160xi32, #tpu.memory_space<hbm>>
        %dma_start3A_127 = tpu.memref_slice %arg2[%add3A_125] : memref<204800xi32, #tpu.memory_space<hbm>> -> memref<160xi32, #tpu.memory_space<hbm>>
        tpu.enqueue_dma source(%dma_start3A_127 : memref<160xi32, #tpu.memory_space<hbm>>) target(%arg8 : memref<160xi32, #tpu.memory_space<vmem>>) target_semaphore(%arg18 : memref<!tpu.dma_semaphore, #tpu.memory_space<semaphore_mem>>)
        %dma_start3A_128 = tpu.memref_slice %arg3[%add3A_125] : memref<204800xi32, #tpu.memory_space<hbm>> -> memref<160xi32, #tpu.memory_space<hbm>>
        %dma_start3A_129 = tpu.memref_slice %arg3[%add3A_125] : memref<204800xi32, #tpu.memory_space<hbm>> -> memref<160xi32, #tpu.memory_space<hbm>>
        tpu.enqueue_dma source(%dma_start3A_129 : memref<160xi32, #tpu.memory_space<hbm>>) target(%arg10 : memref<160xi32, #tpu.memory_space<vmem>>) target_semaphore(%arg18 : memref<!tpu.dma_semaphore, #tpu.memory_space<semaphore_mem>>)
      } else {
      }
      %ge3A_103 = arith.constant 2 : i32
      %ge3A_104 = arith.cmpi sge, %add3A_82, %ge3A_103 : i32
      %convert_element_type3A_105 = arith.extui %ge3A_104 : i1 to i32
      %cond3A_106 = arith.constant 0 : i32
      %cond3A_107 = arith.cmpi ne, %convert_element_type3A_105, %cond3A_106 : i32
      scf.if %cond3A_107 {
        %sub3A = arith.constant 2 : i32
        %sub3A_121 = arith.subi %add3A_82, %sub3A : i32
        %mul3A_122 = arith.constant 160 : i32
        %mul3A_123 = arith.muli %sub3A_121, %mul3A_122 : i32
        %add3A_124 = arith.addi %mul3A_2, %mul3A_123 : i32
        %dma_wait3A_125 = arith.constant 0 : i32
        %dma_wait3A_126 = tpu.memref_slice %arg6[%add3A_124, %dma_wait3A_125] : memref<204800x128xf32, #tpu.memory_space<hbm>> -> memref<160x128xf32, #tpu.memory_space<hbm>>
        %dma_wait3A_127 = arith.constant 0 : i32
        %dma_wait3A_128 = tpu.memref_slice %arg6[%add3A_124, %dma_wait3A_127] : memref<204800x128xf32, #tpu.memory_space<hbm>> -> memref<160x128xf32, #tpu.memory_space<hbm>>
        tpu.wait_dma2 semaphore(%arg24 : memref<!tpu.dma_semaphore, #tpu.memory_space<semaphore_mem>>) src(%arg16 : memref<160x128xf32, #tpu.memory_space<vmem>>) dst(%dma_wait3A_128 : memref<160x128xf32, #tpu.memory_space<hbm>>)
      } else {
      }
      %scan3A_108 = arith.constant 0 : i32
      %scan3A_109 = arith.constant 0 : i32
      %scan3A_110 = arith.constant 160 : i32
      %scan3A_111 = arith.addi %scan3A_109, %scan3A_110 : i32
      %scan3A_112 = arith.constant 1 : i32
      scf.for %scan3A_121 = %scan3A_109 to %scan3A_111 step %scan3A_112  : i32 {
        %get3A = arith.index_cast %scan3A_121 : i32 to index
        %get3A_122 = arith.constant 0 : index
        %get3A_123 = tpu.vector_load %arg12[%get3A, %get3A_122] {strides = array<i32>} : memref<160x128xf32, #tpu.memory_space<vmem>>, vector<1x16xf32>,
        %get3A_124 = vector.shape_cast %get3A_123 : vector<1x16xf32> to vector<16xf32>
        %get3A_125 = arith.index_cast %scan3A_121 : i32 to index
        %get3A_126 = arith.constant 0 : index
        %get3A_127 = tpu.vector_load %arg14[%get3A_125, %get3A_126] {strides = array<i32>} : memref<160x128xf32, #tpu.memory_space<vmem>>, vector<1x16xf32>,
        %get3A_128 = vector.shape_cast %get3A_127 : vector<1x16xf32> to vector<16xf32>
        %add3A_129 = arith.addf %get3A_124, %get3A_128 : vector<16xf32>
        %max3A = arith.constant 0.000000e+00 : f32
        %max3A_130 = vector.broadcast %max3A : f32 to vector<16xf32>
        %max3A_131 = arith.maximumf %add3A_129, %max3A_130 : vector<16xf32>
        %swap3A = arith.index_cast %scan3A_121 : i32 to index
        %swap3A_132 = arith.constant 0 : index
        %swap3A_133 = tpu.vector_load %arg16[%swap3A, %swap3A_132] {strides = array<i32>} : memref<160x128xf32, #tpu.memory_space<vmem>>, vector<1x16xf32>,
        %swap3A_134 = vector.shape_cast %swap3A_133 : vector<1x16xf32> to vector<16xf32>
        %swap3A_135 = vector.shape_cast %max3A_131 : vector<16xf32> to vector<1x16xf32>
        tpu.vector_store %arg16[%swap3A, %swap3A_132], %swap3A_135 {strides = array<i32>} : memref<160x128xf32, #tpu.memory_space<vmem>>, vector<1x16xf32>,
        %get3A_136 = arith.index_cast %scan3A_121 : i32 to index
        %get3A_137 = arith.constant 16 : index
        %get3A_138 = tpu.vector_load %arg12[%get3A_136, %get3A_137] {strides = array<i32>} : memref<160x128xf32, #tpu.memory_space<vmem>>, vector<1x16xf32>,
        %get3A_139 = vector.shape_cast %get3A_138 : vector<1x16xf32> to vector<16xf32>
        %get3A_140 = arith.index_cast %scan3A_121 : i32 to index
        %get3A_141 = arith.constant 16 : index
        %get3A_142 = tpu.vector_load %arg14[%get3A_140, %get3A_141] {strides = array<i32>} : memref<160x128xf32, #tpu.memory_space<vmem>>, vector<1x16xf32>,
        %get3A_143 = vector.shape_cast %get3A_142 : vector<1x16xf32> to vector<16xf32>
        %add3A_144 = arith.addf %get3A_139, %get3A_143 : vector<16xf32>
        %max3A_145 = arith.constant 0.000000e+00 : f32
        %max3A_146 = vector.broadcast %max3A_145 : f32 to vector<16xf32>
        %max3A_147 = arith.maximumf %add3A_144, %max3A_146 : vector<16xf32>
        %swap3A_148 = arith.index_cast %scan3A_121 : i32 to index
        %swap3A_149 = arith.constant 16 : index
        %swap3A_150 = tpu.vector_load %arg16[%swap3A_148, %swap3A_149] {strides = array<i32>} : memref<160x128xf32, #tpu.memory_space<vmem>>, vector<1x16xf32>,
        %swap3A_151 = vector.shape_cast %swap3A_150 : vector<1x16xf32> to vector<16xf32>
        %swap3A_152 = vector.shape_cast %max3A_147 : vector<16xf32> to vector<1x16xf32>
        tpu.vector_store %arg16[%swap3A_148, %swap3A_149], %swap3A_152 {strides = array<i32>} : memref<160x128xf32, #tpu.memory_space<vmem>>, vector<1x16xf32>,
        %get3A_153 = arith.index_cast %scan3A_121 : i32 to index
        %get3A_154 = arith.constant 32 : index
        %get3A_155 = tpu.vector_load %arg12[%get3A_153, %get3A_154] {strides = array<i32>} : memref<160x128xf32, #tpu.memory_space<vmem>>, vector<1x16xf32>,
        %get3A_156 = vector.shape_cast %get3A_155 : vector<1x16xf32> to vector<16xf32>
        %get3A_157 = arith.index_cast %scan3A_121 : i32 to index
        %get3A_158 = arith.constant 32 : index
        %get3A_159 = tpu.vector_load %arg14[%get3A_157, %get3A_158] {strides = array<i32>} : memref<160x128xf32, #tpu.memory_space<vmem>>, vector<1x16xf32>,
        %get3A_160 = vector.shape_cast %get3A_159 : vector<1x16xf32> to vector<16xf32>
        %add3A_161 = arith.addf %get3A_156, %get3A_160 : vector<16xf32>
        %max3A_162 = arith.constant 0.000000e+00 : f32
        %max3A_163 = vector.broadcast %max3A_162 : f32 to vector<16xf32>
        %max3A_164 = arith.maximumf %add3A_161, %max3A_163 : vector<16xf32>
        %swap3A_165 = arith.index_cast %scan3A_121 : i32 to index
        %swap3A_166 = arith.constant 32 : index
        %swap3A_167 = tpu.vector_load %arg16[%swap3A_165, %swap3A_166] {strides = array<i32>} : memref<160x128xf32, #tpu.memory_space<vmem>>, vector<1x16xf32>,
        %swap3A_168 = vector.shape_cast %swap3A_167 : vector<1x16xf32> to vector<16xf32>
        %swap3A_169 = vector.shape_cast %max3A_164 : vector<16xf32> to vector<1x16xf32>
        tpu.vector_store %arg16[%swap3A_165, %swap3A_166], %swap3A_169 {strides = array<i32>} : memref<160x128xf32, #tpu.memory_space<vmem>>, vector<1x16xf32>,
        %get3A_170 = arith.index_cast %scan3A_121 : i32 to index
        %get3A_171 = arith.constant 48 : index
        %get3A_172 = tpu.vector_load %arg12[%get3A_170, %get3A_171] {strides = array<i32>} : memref<160x128xf32, #tpu.memory_space<vmem>>, vector<1x16xf32>,
        %get3A_173 = vector.shape_cast %get3A_172 : vector<1x16xf32> to vector<16xf32>
        %get3A_174 = arith.index_cast %scan3A_121 : i32 to index
        %get3A_175 = arith.constant 48 : index
        %get3A_176 = tpu.vector_load %arg14[%get3A_174, %get3A_175] {strides = array<i32>} : memref<160x128xf32, #tpu.memory_space<vmem>>, vector<1x16xf32>,
        %get3A_177 = vector.shape_cast %get3A_176 : vector<1x16xf32> to vector<16xf32>
        %add3A_178 = arith.addf %get3A_173, %get3A_177 : vector<16xf32>
        %max3A_179 = arith.constant 0.000000e+00 : f32
        %max3A_180 = vector.broadcast %max3A_179 : f32 to vector<16xf32>
        %max3A_181 = arith.maximumf %add3A_178, %max3A_180 : vector<16xf32>
        %swap3A_182 = arith.index_cast %scan3A_121 : i32 to index
        %swap3A_183 = arith.constant 48 : index
        %swap3A_184 = tpu.vector_load %arg16[%swap3A_182, %swap3A_183] {strides = array<i32>} : memref<160x128xf32, #tpu.memory_space<vmem>>, vector<1x16xf32>,
        %swap3A_185 = vector.shape_cast %swap3A_184 : vector<1x16xf32> to vector<16xf32>
        %swap3A_186 = vector.shape_cast %max3A_181 : vector<16xf32> to vector<1x16xf32>
        tpu.vector_store %arg16[%swap3A_182, %swap3A_183], %swap3A_186 {strides = array<i32>} : memref<160x128xf32, #tpu.memory_space<vmem>>, vector<1x16xf32>,
        %get3A_187 = arith.index_cast %scan3A_121 : i32 to index
        %get3A_188 = arith.constant 64 : index
        %get3A_189 = tpu.vector_load %arg12[%get3A_187, %get3A_188] {strides = array<i32>} : memref<160x128xf32, #tpu.memory_space<vmem>>, vector<1x16xf32>,
        %get3A_190 = vector.shape_cast %get3A_189 : vector<1x16xf32> to vector<16xf32>
        %get3A_191 = arith.index_cast %scan3A_121 : i32 to index
        %get3A_192 = arith.constant 64 : index
        %get3A_193 = tpu.vector_load %arg14[%get3A_191, %get3A_192] {strides = array<i32>} : memref<160x128xf32, #tpu.memory_space<vmem>>, vector<1x16xf32>,
        %get3A_194 = vector.shape_cast %get3A_193 : vector<1x16xf32> to vector<16xf32>
        %add3A_195 = arith.addf %get3A_190, %get3A_194 : vector<16xf32>
        %max3A_196 = arith.constant 0.000000e+00 : f32
        %max3A_197 = vector.broadcast %max3A_196 : f32 to vector<16xf32>
        %max3A_198 = arith.maximumf %add3A_195, %max3A_197 : vector<16xf32>
        %swap3A_199 = arith.index_cast %scan3A_121 : i32 to index
        %swap3A_200 = arith.constant 64 : index
        %swap3A_201 = tpu.vector_load %arg16[%swap3A_199, %swap3A_200] {strides = array<i32>} : memref<160x128xf32, #tpu.memory_space<vmem>>, vector<1x16xf32>,
        %swap3A_202 = vector.shape_cast %swap3A_201 : vector<1x16xf32> to vector<16xf32>
        %swap3A_203 = vector.shape_cast %max3A_198 : vector<16xf32> to vector<1x16xf32>
        tpu.vector_store %arg16[%swap3A_199, %swap3A_200], %swap3A_203 {strides = array<i32>} : memref<160x128xf32, #tpu.memory_space<vmem>>, vector<1x16xf32>,
        %get3A_204 = arith.index_cast %scan3A_121 : i32 to index
        %get3A_205 = arith.constant 80 : index
        %get3A_206 = tpu.vector_load %arg12[%get3A_204, %get3A_205] {strides = array<i32>} : memref<160x128xf32, #tpu.memory_space<vmem>>, vector<1x16xf32>,
        %get3A_207 = vector.shape_cast %get3A_206 : vector<1x16xf32> to vector<16xf32>
        %get3A_208 = arith.index_cast %scan3A_121 : i32 to index
        %get3A_209 = arith.constant 80 : index
        %get3A_210 = tpu.vector_load %arg14[%get3A_208, %get3A_209] {strides = array<i32>} : memref<160x128xf32, #tpu.memory_space<vmem>>, vector<1x16xf32>,
        %get3A_211 = vector.shape_cast %get3A_210 : vector<1x16xf32> to vector<16xf32>
        %add3A_212 = arith.addf %get3A_207, %get3A_211 : vector<16xf32>
        %max3A_213 = arith.constant 0.000000e+00 : f32
        %max3A_214 = vector.broadcast %max3A_213 : f32 to vector<16xf32>
        %max3A_215 = arith.maximumf %add3A_212, %max3A_214 : vector<16xf32>
        %swap3A_216 = arith.index_cast %scan3A_121 : i32 to index
        %swap3A_217 = arith.constant 80 : index
        %swap3A_218 = tpu.vector_load %arg16[%swap3A_216, %swap3A_217] {strides = array<i32>} : memref<160x128xf32, #tpu.memory_space<vmem>>, vector<1x16xf32>,
        %swap3A_219 = vector.shape_cast %swap3A_218 : vector<1x16xf32> to vector<16xf32>
        %swap3A_220 = vector.shape_cast %max3A_215 : vector<16xf32> to vector<1x16xf32>
        tpu.vector_store %arg16[%swap3A_216, %swap3A_217], %swap3A_220 {strides = array<i32>} : memref<160x128xf32, #tpu.memory_space<vmem>>, vector<1x16xf32>,
        %get3A_221 = arith.index_cast %scan3A_121 : i32 to index
        %get3A_222 = arith.constant 96 : index
        %get3A_223 = tpu.vector_load %arg12[%get3A_221, %get3A_222] {strides = array<i32>} : memref<160x128xf32, #tpu.memory_space<vmem>>, vector<1x16xf32>,
        %get3A_224 = vector.shape_cast %get3A_223 : vector<1x16xf32> to vector<16xf32>
        %get3A_225 = arith.index_cast %scan3A_121 : i32 to index
        %get3A_226 = arith.constant 96 : index
        %get3A_227 = tpu.vector_load %arg14[%get3A_225, %get3A_226] {strides = array<i32>} : memref<160x128xf32, #tpu.memory_space<vmem>>, vector<1x16xf32>,
        %get3A_228 = vector.shape_cast %get3A_227 : vector<1x16xf32> to vector<16xf32>
        %add3A_229 = arith.addf %get3A_224, %get3A_228 : vector<16xf32>
        %max3A_230 = arith.constant 0.000000e+00 : f32
        %max3A_231 = vector.broadcast %max3A_230 : f32 to vector<16xf32>
        %max3A_232 = arith.maximumf %add3A_229, %max3A_231 : vector<16xf32>
        %swap3A_233 = arith.index_cast %scan3A_121 : i32 to index
        %swap3A_234 = arith.constant 96 : index
        %swap3A_235 = tpu.vector_load %arg16[%swap3A_233, %swap3A_234] {strides = array<i32>} : memref<160x128xf32, #tpu.memory_space<vmem>>, vector<1x16xf32>,
        %swap3A_236 = vector.shape_cast %swap3A_235 : vector<1x16xf32> to vector<16xf32>
        %swap3A_237 = vector.shape_cast %max3A_232 : vector<16xf32> to vector<1x16xf32>
        tpu.vector_store %arg16[%swap3A_233, %swap3A_234], %swap3A_237 {strides = array<i32>} : memref<160x128xf32, #tpu.memory_space<vmem>>, vector<1x16xf32>,
        %get3A_238 = arith.index_cast %scan3A_121 : i32 to index
        %get3A_239 = arith.constant 112 : index
        %get3A_240 = tpu.vector_load %arg12[%get3A_238, %get3A_239] {strides = array<i32>} : memref<160x128xf32, #tpu.memory_space<vmem>>, vector<1x16xf32>,
        %get3A_241 = vector.shape_cast %get3A_240 : vector<1x16xf32> to vector<16xf32>
        %get3A_242 = arith.index_cast %scan3A_121 : i32 to index
        %get3A_243 = arith.constant 112 : index
        %get3A_244 = tpu.vector_load %arg14[%get3A_242, %get3A_243] {strides = array<i32>} : memref<160x128xf32, #tpu.memory_space<vmem>>, vector<1x16xf32>,
        %get3A_245 = vector.shape_cast %get3A_244 : vector<1x16xf32> to vector<16xf32>
        %add3A_246 = arith.addf %get3A_241, %get3A_245 : vector<16xf32>
        %max3A_247 = arith.constant 0.000000e+00 : f32
        %max3A_248 = vector.broadcast %max3A_247 : f32 to vector<16xf32>
        %max3A_249 = arith.maximumf %add3A_246, %max3A_248 : vector<16xf32>
        %swap3A_250 = arith.index_cast %scan3A_121 : i32 to index
        %swap3A_251 = arith.constant 112 : index
        %swap3A_252 = tpu.vector_load %arg16[%swap3A_250, %swap3A_251] {strides = array<i32>} : memref<160x128xf32, #tpu.memory_space<vmem>>, vector<1x16xf32>,
        %swap3A_253 = vector.shape_cast %swap3A_252 : vector<1x16xf32> to vector<16xf32>
        %swap3A_254 = vector.shape_cast %max3A_249 : vector<16xf32> to vector<1x16xf32>
        tpu.vector_store %arg16[%swap3A_250, %swap3A_251], %swap3A_254 {strides = array<i32>} : memref<160x128xf32, #tpu.memory_space<vmem>>, vector<1x16xf32>,
      }
      %scan3A_113 = arith.constant 160 : i32
      %mul3A_114 = arith.constant 160 : i32
      %mul3A_115 = arith.muli %add3A_82, %mul3A_114 : i32
      %add3A_116 = arith.addi %mul3A_2, %mul3A_115 : i32
      %dma_start3A_117 = arith.constant 0 : i32
      %dma_start3A_118 = tpu.memref_slice %arg6[%add3A_116, %dma_start3A_117] : memref<204800x128xf32, #tpu.memory_space<hbm>> -> memref<160x128xf32, #tpu.memory_space<hbm>>
      %dma_start3A_119 = arith.constant 0 : i32
      %dma_start3A_120 = tpu.memref_slice %arg6[%add3A_116, %dma_start3A_119] : memref<204800x128xf32, #tpu.memory_space<hbm>> -> memref<160x128xf32, #tpu.memory_space<hbm>>
      tpu.enqueue_dma source(%arg16 : memref<160x128xf32, #tpu.memory_space<vmem>>) target(%dma_start3A_120 : memref<160x128xf32, #tpu.memory_space<hbm>>) target_semaphore(%arg24 : memref<!tpu.dma_semaphore, #tpu.memory_space<semaphore_mem>>)
    }
    %scan3A_29 = arith.constant 20 : i32
    %add3A_30 = arith.constant 6080 : i32
    %add3A_31 = arith.addi %mul3A_2, %add3A_30 : i32
    %dma_wait3A_32 = arith.constant 0 : i32
    %dma_wait3A_33 = tpu.memref_slice %arg6[%add3A_31, %dma_wait3A_32] : memref<204800x128xf32, #tpu.memory_space<hbm>> -> memref<160x128xf32, #tpu.memory_space<hbm>>
    %dma_wait3A_34 = arith.constant 0 : i32
    %dma_wait3A_35 = tpu.memref_slice %arg6[%add3A_31, %dma_wait3A_34] : memref<204800x128xf32, #tpu.memory_space<hbm>> -> memref<160x128xf32, #tpu.memory_space<hbm>>
    tpu.wait_dma2 semaphore(%arg23 : memref<!tpu.dma_semaphore, #tpu.memory_space<semaphore_mem>>) src(%arg15 : memref<160x128xf32, #tpu.memory_space<vmem>>) dst(%dma_wait3A_35 : memref<160x128xf32, #tpu.memory_space<hbm>>)
    %add3A_36 = arith.constant 6240 : i32
    %add3A_37 = arith.addi %mul3A_2, %add3A_36 : i32
    %dma_wait3A_38 = arith.constant 0 : i32
    %dma_wait3A_39 = tpu.memref_slice %arg6[%add3A_37, %dma_wait3A_38] : memref<204800x128xf32, #tpu.memory_space<hbm>> -> memref<160x128xf32, #tpu.memory_space<hbm>>
    %dma_wait3A_40 = arith.constant 0 : i32
    %dma_wait3A_41 = tpu.memref_slice %arg6[%add3A_37, %dma_wait3A_40] : memref<204800x128xf32, #tpu.memory_space<hbm>> -> memref<160x128xf32, #tpu.memory_space<hbm>>
    tpu.wait_dma2 semaphore(%arg24 : memref<!tpu.dma_semaphore, #tpu.memory_space<semaphore_mem>>) src(%arg16 : memref<160x128xf32, #tpu.memory_space<vmem>>) dst(%dma_wait3A_41 : memref<160x128xf32, #tpu.memory_space<hbm>>)
    return
  }
}

module attributes {stable_mosaic.version = 14 : i64} {
  func.func @proj_kernel(%arg0: i32, %arg1: memref<64x2048xf32, #tpu.memory_space<vmem>>, %arg2: memref<128x64xf32, #tpu.memory_space<vmem>>, %arg3: memref<128x64xf32, #tpu.memory_space<vmem>>, %arg4: memref<1x128xf32, #tpu.memory_space<vmem>>, %arg5: memref<2048x128xf32, #tpu.memory_space<vmem>>, %arg6: memref<2048x128xf32, #tpu.memory_space<vmem>>) attributes {dimension_semantics = [#tpu.dimension_semantics<arbitrary>], iteration_bounds = array<i64: 49>, scalar_prefetch = 0 : i64, scratch_operands = 0 : i64, tpu.core_type = #tpu.core_type<tc>, window_params = [{transform_indices = @transform_0, window_bounds = array<i64: 64, 2048>}, {pipeline_mode = #tpu.pipeline_mode<synchronous>, transform_indices = @transform_1, window_bounds = array<i64: 128, 64>}, {pipeline_mode = #tpu.pipeline_mode<synchronous>, transform_indices = @transform_2, window_bounds = array<i64: 128, 64>}, {pipeline_mode = #tpu.pipeline_mode<synchronous>, transform_indices = @transform_3, window_bounds = array<i64: 1, 128>}, {transform_indices = @transform_4, window_bounds = array<i64: 2048, 128>}, {transform_indices = @transform_5, window_bounds = array<i64: 2048, 128>}]} {
    %get3A = arith.constant 0 : index
    %get3A_0 = arith.constant 0 : index
    %get3A_1 = vector.load %arg1[%get3A, %get3A_0] : memref<64x2048xf32, #tpu.memory_space<vmem>>, vector<64x2048xf32>
    %get3A_2 = arith.constant 0 : index
    %get3A_3 = arith.constant 0 : index
    %get3A_4 = vector.load %arg2[%get3A_2, %get3A_3] : memref<128x64xf32, #tpu.memory_space<vmem>>, vector<128x64xf32>
    %dot_general3A = arith.constant dense<0.000000e+00> : vector<2048x128xf32>
    %dot_general3A_5 = tpu.matmul %get3A_1, %get3A_4, %dot_general3A {dimension_numbers = #tpu.dot_dimension_numbers<[0], [1], [1], [0], [0, 1, 1, 0], [], []>, transpose_lhs_hint = false} : vector<64x2048xf32>, vector<128x64xf32>, vector<2048x128xf32> -> vector<2048x128xf32>
    %get3A_6 = arith.constant 0 : index
    %get3A_7 = arith.constant 0 : index
    %get3A_8 = vector.load %arg4[%get3A_6, %get3A_7] : memref<1x128xf32, #tpu.memory_space<vmem>>, vector<1x128xf32>
    %add3A = vector.broadcast %get3A_8 : vector<1x128xf32> to vector<2048x128xf32>
    %add3A_9 = arith.addf %dot_general3A_5, %add3A : vector<2048x128xf32>
    %swap3A = arith.constant 0 : index
    %swap3A_10 = arith.constant 0 : index
    %swap3A_11 = vector.load %arg5[%swap3A, %swap3A_10] : memref<2048x128xf32, #tpu.memory_space<vmem>>, vector<2048x128xf32>
    tpu.vector_store %arg5[%swap3A, %swap3A_10], %add3A_9 {strides = array<i32>} : memref<2048x128xf32, #tpu.memory_space<vmem>>, vector<2048x128xf32>,
    %get3A_12 = arith.constant 0 : index
    %get3A_13 = arith.constant 0 : index
    %get3A_14 = vector.load %arg3[%get3A_12, %get3A_13] : memref<128x64xf32, #tpu.memory_space<vmem>>, vector<128x64xf32>
    %dot_general3A_15 = arith.constant dense<0.000000e+00> : vector<2048x128xf32>
    %dot_general3A_16 = tpu.matmul %get3A_1, %get3A_14, %dot_general3A_15 {dimension_numbers = #tpu.dot_dimension_numbers<[0], [1], [1], [0], [0, 1, 1, 0], [], []>, transpose_lhs_hint = false} : vector<64x2048xf32>, vector<128x64xf32>, vector<2048x128xf32> -> vector<2048x128xf32>
    %swap3A_17 = arith.constant 0 : index
    %swap3A_18 = arith.constant 0 : index
    %swap3A_19 = vector.load %arg6[%swap3A_17, %swap3A_18] : memref<2048x128xf32, #tpu.memory_space<vmem>>, vector<2048x128xf32>
    tpu.vector_store %arg6[%swap3A_17, %swap3A_18], %dot_general3A_16 {strides = array<i32>} : memref<2048x128xf32, #tpu.memory_space<vmem>>, vector<2048x128xf32>,
    return
  }
  func.func @transform_0(%arg0: i32) -> (i32, i32) {
    %c0_i32 = arith.constant 0 : i32
    %c0_i32_0 = arith.constant 0 : i32
    return %c0_i32, %arg0 : i32, i32
  }
  func.func @transform_1(%arg0: i32) -> (i32, i32) {
    %c0_i32 = arith.constant 0 : i32
    %c0_i32_0 = arith.constant 0 : i32
    %c0_i32_1 = arith.constant 0 : i32
    return %c0_i32, %c0_i32_0 : i32, i32
  }
  func.func @transform_2(%arg0: i32) -> (i32, i32) {
    %c0_i32 = arith.constant 0 : i32
    %c0_i32_0 = arith.constant 0 : i32
    %c0_i32_1 = arith.constant 0 : i32
    return %c0_i32, %c0_i32_0 : i32, i32
  }
  func.func @transform_3(%arg0: i32) -> (i32, i32) {
    %c0_i32 = arith.constant 0 : i32
    %c0_i32_0 = arith.constant 0 : i32
    %c0_i32_1 = arith.constant 0 : i32
    return %c0_i32, %c0_i32_0 : i32, i32
  }
  func.func @transform_4(%arg0: i32) -> (i32, i32) {
    %c0_i32 = arith.constant 0 : i32
    %c0_i32_0 = arith.constant 0 : i32
    return %arg0, %c0_i32 : i32, i32
  }
  func.func @transform_5(%arg0: i32) -> (i32, i32) {
    %c0_i32 = arith.constant 0 : i32
    %c0_i32_0 = arith.constant 0 : i32
    return %arg0, %c0_i32 : i32, i32
  }
}

</mosaic_0001>

<sc_bundles>
// kernel: kernel.4.cloned.1.call-start
scs
__scs_entry_jumppad:
0x0: {  	(pc) =	sbr.rel $0x88, $3  }
0x1: {  	(tag) =	ssettag $0x0;
	lr =	simm.s32 $0x1  }
0x2: {  	[smem:$0x3F9D] =	sst lr;
	_ =	strace $0xD0000000  }
0x3: {  	_ = 	snop  }
0x4: {  	_ = 	snop  }
0x5: {  	_ = 	snop  }
0x6: {  	_ = 	snop  }
0x7: {  	_ = 	snop  }
__scs_overlays_trampoline_lowered:
0x8: {  	[smem:$0x3FAC] =	sst s0  }
0x9: {  	[smem:$0x3FAD] =	sst s1  }
0xa: {  	[smem:$0x3FAE] =	sst s2  }
0xb: {  	[smem:$0x3FAF] =	sst s3  }
0xc: {  	[smem:$0x3FB0] =	sst s4  }
0xd: {  	[smem:$0x3FB1] =	sst s5  }
0xe: {  	[smem:$0x3FB2] =	sst s6  }
0xf: {  	[smem:$0x3FB3] =	sst s7  }
0x10: {  	[smem:$0x3FB4] =	sst s8  }
0x11: {  	[smem:$0x3FB5] =	sst s9;
	s0 =	simm.s32 @!p0 $0x0  }
0x12: {  	s1 =	sld [smem:$0x3F9B];
	s0 =	simm.s32 @p0 $0x1  }
0x13: {  	[smem:$0x3FB6] =	sst s0;
	s0 =	simm.s32 @!p1 $0x0  }
0x14: {  	s2 =	sld [smem:$0x3F9A];
	s0 =	simm.s32 @p1 $0x1  }
0x15: {  	[smem:$0x3FB7] =	sst s0;
	s0 =	simm.s32 @!p2 $0x0  }
0x16: {  	s3 =	sld [smem:$0x3FDB];
	s0 =	simm.s32 @p2 $0x1  }
0x17: {  	s4 =	simm.s32 $0x1BF5;
	[smem:$0x3FB9] =	sst s0  }
0x18: {  	s0 =	sld [smem:$0x3F9C];
	_ =	swait.ge [sflag:s4], $0x0  }
0x19: {  	s7 =	sld [smem:$0x3F9D]  }
0x1a: {  	s8 =	sadd.s32 $0xFFFFE003, lr  }
0x1b: {  	s9 =	sadd.s32 $0xFFFFFEF7, lr;
	s5 =	simm.s32 $0xFFFFFFFF;
	p2 =	slt.u32 s8, $0xFFFFF086  }
0x1c: {  	p1 =	slt.u32 s9, $0xF7A;
	s5 =	simm.s32 @!p2 $0x0  }
0x1d: {  	s5 =	simm.s32 @p1 $0x1;
	p0 =	seq.s32 s7, s2  }
0x1e: {  	s7 =	smul.u32 @!p0 $0xF7A, s2;
	p2 =	seq.s32 @!p0 s5, $0x0  }
0x1f: {  	s9 =	smul.u32 $0xF7A, s1;
	s8 =	simm.s32 @!p0 $0x1BF5;
	p2 =	por !p2, p0  }
0x20: {  	[sflag:s8] =	ssyncset.s32 @!p0 $0xFFFFF086;
	s6 =	sadd.s32 @!p0 s3, s7;
	s7 =	simm.s32 @!p0 $0x108  }
0x21: {  	s3 =	sadd.s32 s3, s9;
	s6 =	sadd.s32 @!p0 $0x88, s6;
	s7 =	simm.s32 @p2 $0x1082  }
0x22: {  	[simem:s7], [sflag:s8] =	dma.local @!p0 [hbm:s6], $0xF7A  }
0x23: {  	s9 =	sor.u32 $0xD0000000, s2;
	s6 =	simm.s32 $0x108;
	_ =	swait.ge @!p0 [sflag:s8], $0x0  }
0x24: {  	s3 =	sadd.s32 $0x88, s3;
	s6 =	simm.s32 @!p1 $0x1082;
	[sflag:s4] =	ssyncset.s32 $0xFFFFF086  }
0x25: {  	[simem:s6], [sflag:s4] =	dma.local [hbm:s3], $0xF7A  }
0x26: {  	[smem:$0x3F9D] =	sst s1;
	(tag) =	ssettag s2;
	_ =	strace s9  }
0x27: {  	s1 =	sld [smem:$0x3FAD]  }
0x28: {  	s2 =	sld [smem:$0x3FAE]  }
0x29: {  	s4 =	sld [smem:$0x3FB0]  }
0x2a: {  	p0 =	seq.s32 s5, $0x0;
	s5 =	sld [smem:$0x3FB1]  }
0x2b: {  	s6 =	sld [smem:$0x3FB2]  }
0x2c: {  	s7 =	sld [smem:$0x3FB3]  }
0x2d: {  	s3 =	simm.s32 $0x108;
	s8 =	sld [smem:$0x3FB4]  }
0x2e: {  	s3 =	simm.s32 @!p0 $0x1082;
	s9 =	sld [smem:$0x3FB5]  }
0x2f: {  	lr =	sadd.s32 s0, s3;
	s0 =	sld [smem:$0x3FAC]  }
0x30: {  	s3 =	sld [smem:$0x3FAF]  }
0x31: {  	[smem:$0x3FB8] =	sst s10  }
0x32: {  	s10 =	sld [smem:$0x3FB6];
	_ =	sdelay $0x3  }
0x33: {  	p0 =	seq.s32 s10, $0x1;
	s10 =	sld [smem:$0x3FB8];
	_ =	sdelay $0x3  }
0x34: {  	[smem:$0x3FB8] =	sst s10  }
0x35: {  	s10 =	sld [smem:$0x3FB7];
	_ =	sdelay $0x3  }
0x36: {  	p1 =	seq.s32 s10, $0x1;
	s10 =	sld [smem:$0x3FB8];
	_ =	sdelay $0x3  }
0x37: {  	[smem:$0x3FB8] =	sst s10  }
0x38: {  	s10 =	sld [smem:$0x3FB9]  }
0x39: {  	_ = 	snop;
	(pc) =	sbr.ind lr, $3  }
0x3a: {  	_ = 	snop  }
0x3b: {  	_ = 	snop  }
0x3c: {  	p2 =	seq.s32 s10, $0x1;
	s10 =	sld [smem:$0x3FB8]  }
0x3d: {  	_ =	shalt  }
0x3e: {  	_ =	shalt  }
0x3f: {  	_ =	shalt  }
0x40: {  	_ =	shalt  }
0x41: {  	_ =	shalt  }
0x42: {  	_ =	shalt  }
0x43: {  	_ =	shalt  }
0x44: {  	_ =	shalt  }
0x45: {  	_ =	shalt  }
0x46: {  	_ =	shalt  }
0x47: {  	_ =	shalt  }
0x48: {  	_ =	shalt  }
0x49: {  	_ =	shalt  }
0x4a: {  	_ =	shalt  }
0x4b: {  	_ =	shalt  }
0x4c: {  	_ =	shalt  }
0x4d: {  	_ =	shalt  }
0x4e: {  	_ =	shalt  }
0x4f: {  	_ =	shalt  }
0x50: {  	_ =	shalt  }
0x51: {  	_ =	shalt  }
0x52: {  	_ =	shalt  }
0x53: {  	_ =	shalt  }
0x54: {  	_ =	shalt  }
0x55: {  	_ =	shalt  }
0x56: {  	_ =	shalt  }
0x57: {  	_ =	shalt  }
0x58: {  	_ =	shalt  }
0x59: {  	_ =	shalt  }
0x5a: {  	_ =	shalt  }
0x5b: {  	_ =	shalt  }
0x5c: {  	_ =	shalt  }
0x5d: {  	_ =	shalt  }
0x5e: {  	_ =	shalt  }
0x5f: {  	_ =	shalt  }
0x60: {  	_ =	shalt  }
0x61: {  	_ =	shalt  }
0x62: {  	_ =	shalt  }
0x63: {  	_ =	shalt  }
0x64: {  	_ =	shalt  }
0x65: {  	_ =	shalt  }
0x66: {  	_ =	shalt  }
0x67: {  	_ =	shalt  }
0x68: {  	_ =	shalt  }
0x69: {  	_ =	shalt  }
0x6a: {  	_ =	shalt  }
0x6b: {  	_ =	shalt  }
0x6c: {  	_ =	shalt  }
0x6d: {  	_ =	shalt  }
0x6e: {  	_ =	shalt  }
0x6f: {  	_ =	shalt  }
0x70: {  	_ =	shalt  }
0x71: {  	_ =	shalt  }
0x72: {  	_ =	shalt  }
0x73: {  	_ =	shalt  }
0x74: {  	_ =	shalt  }
0x75: {  	_ =	shalt  }
0x76: {  	_ =	shalt  }
0x77: {  	_ =	shalt  }
0x78: {  	_ =	shalt  }
0x79: {  	_ =	shalt  }
0x7a: {  	_ =	shalt  }
0x7b: {  	_ =	shalt  }
0x7c: {  	_ =	shalt  }
0x7d: {  	_ =	shalt  }
0x7e: {  	_ =	shalt  }
0x7f: {  	_ =	shalt  }
0x80: {  	_ =	shalt  }
0x81: {  	_ =	shalt  }
0x82: {  	_ =	shalt  }
0x83: {  	_ =	shalt  }
0x84: {  	_ =	shalt  }
0x85: {  	_ =	shalt  }
0x86: {  	_ =	shalt  }
0x87: {  	_ =	shalt  }
.Lfunc_end0:
.L_simem_size_0:
called_computation_lowered:
.L_overlay_start_0:
0x88: {  	s2 =	sld [smem:$0x3FD9]  }
0x89: {  	s3 =	sld [smem:$0x3FFE];
	_ =	sdelay $0x1  }
0x8a: {  	s1 =	srdreg.scid  }
0x8b: {  	s0 =	sand.u32 $0x1, s1  }
0x8c: {  	s17 =	sshll.u32 s0, $0xA;
	s2 =	sadd.s32 s3, s2  }
0x8d: {  	s2 =	sadd.s32 s2, s17  }
0x8e: {  	[smem:$0x3FC4] =	sst s2  }
0x8f: {  	_ = 	snop  }
0x90: {  	s2 =	sld [smem:$0x3FD0];
	(tm) =	ssettm $0x1  }
0x91: {  	s18 =	sld [smem:$0x3FFB];
	_ =	sdelay $0x3  }
0x92: {  	_ =	strace s18  }
0x93: {  	s3 =	sld [smem:$0x3FFC];
	_ =	sdelay $0x3  }
0x94: {  	_ =	strace s3  }
0x95: {  	s3 =	sld [smem:$0x3FFD];
	_ =	sdelay $0x3  }
0x96: {  	_ =	strace s3  }
0x97: {  	_ =	strace $0x8FFFFFFF  }
0x98: {  	s19 =	sld [smem:$0x3FDB];
	_ =	sdelay $0x1  }
0x99: {  	s4 =	simm.s32 $_scs_section_size  }
0x9a: {  	s5 =	simm.s32 $_size__tile_overlayer_lowered;
	s6 =	simm.s32 $_tile_overlayer_lowered  }
0x9b: {  	s22 =	simm.s32 $0x1BFF;
	s21 =	sshll.u32 s6, $0x1;
	s3 =	sadd.s32 s4, s19  }
0x9c: {  	s7 =	simm.s32 $0x0;
	s20 =	sshll.u32 s5, $0x1;
	s5 =	sadd.s32 s21, s3  }
0x9d: {  	[timem:s7], [sflag:s22] =	dma.local [hbm:s5], s20  }
0x9e: {  	_ =	swait.ge [sflag:s22], s20  }
0x9f: {  	s4 =	ssub.s32 $0x0, s20;
	[sflag:s22] =	ssyncset.done $0x0  }
0xa0: {  	[sflag:s22] =	ssyncadd.s32 s4;
	_ =	sdelay $0x1  }
0xa1: {  	s23 =	simm.s32 $0x1B8B  }
0xa2: {  	_ =	swait.ge [sflag:s23], $0x1  }
0xa3: {  	[sflag:s23] =	ssyncset.done $0x0  }
0xa4: {  	s25 =	simm.s32 $0x1B8E;
	s24 =	sld [smem:$0x3FFE];
	[sflag:s23] =	ssyncadd.s32 $0xFFFFFFFF  }
0xa5: {  	s26 =	simm.s32 $execute0_lowered;
	[smem:$0x3FD2] =	sst s25  }
0xa6: {  	s5 =	sshll.u32 s26, $0x1;
	_ =	strace $0x80000046;
	[dreg:$0x1] =	wrdreg $0xFFFFFFFF  }
0xa7: {  	s28 =	simm.s32 $_size_execute0_lowered;
	s3 =	sadd.s32 s3, s5;
	[dreg:$0x0] =	wrdreg $0x0  }
0xa8: {  	s5 =	sshll.u32 s28, $0x1;
	[dreg:$0x2] =	wrdreg s3  }
0xa9: {  	[dreg:$0x3] =	wrdreg s5  }
0xaa: {  	[dreg:$0x4] =	wrdreg $0xC0  }
0xab: {  	_ =	task [dreg:s7], $0x5FFFF  }
0xac: {  	[dreg:$0x1] =	wrdreg $0xFFFFFFFF  }
0xad: {  	[dreg:$0x0] =	wrdreg $0x60  }
0xae: {  	[dreg:$0x2] =	wrdreg s24  }
0xaf: {  	[dreg:$0x3] =	wrdreg s2  }
0xb0: {  	[dreg:$0x4] =	wrdreg $0x9  }
0xb1: {  	_ =	task.clear_ibuf [dreg:s7], $0x5FFFF;
	_ =	strace $0x90000046  }
0xb2: {  	s29 =	simm.s32 $0x9;
	_ =	strace $0x80000048  }
0xb3: {  	_ =	swait.ge [sflag:s29], $0x1  }
0xb4: {  	[sflag:s29] =	ssyncadd.s32 $0xFFFFFFFF  }
0xb5: {  	_ =	strace $0x90000048  }
0xb6: {  	_ =	sfence  }
0xb7: {  	s30 =	sld [smem:$0x0];
	_ =	sdelay $0x2  }
0xb8: {  	s31 =	sshll.u32 s1, $0xD;
	s1 =	sshrl.u32 s1, $0x2  }
0xb9: {  	s3 =	sand.u32 $0x4000, s31;
	s1 =	sadd.s32 s1, s30  }
0xba: {  	s0 =	sor.u32 s3, s0;
	s1 =	sshll.u32 s1, $0x11  }
0xbb: {  	s0 =	sor.u32 s1, s0  }
0xbc: {  	s0 =	sadd.s32 $0x8F2B, s0  }
0xbd: {  	[sflag:s0] =	ssyncadd.remote.s32 $0x1  }
0xbe: {  	_ =	sfence.sel $0xFFFF  }
0xbf: {  	[dreg:$0x0] =	wrdreg $0xFFFFFFFF;
	(pc) =	sbr.abs _section_cstart, $3  }
0xc0: {  	[dreg:$0x1] =	wrdreg $0xFFFFFFFF  }
0xc1: {  	_ =	task.clear_ibuf [dreg:s7], $0x2FFFF;
	_ =	strace $0x9FFFFFFF  }
0xc2: {  	(tm) =	ssettm $0x7FFFFFFF  }
0xc3: {  	_ =	shalt  }
tec
execute0_lowered:
.L_overlay_start_1:
0x0: {  	(tag) =	ssettag $0x1  }
0x1: {  	s0 =	rddreg [dreg:$0x0]  }
0x2: {  	s2 =	rddreg [dreg:$0x1]  }
0x3: {  	s1 =	srdreg.scid;
	s4 =	stileid.u32;
	s3 =	simm.s32 $0x0  }
0x4: {  	s17 =	simm.s32 $0x200;
	s18 =	simm.s32 $0x100;
	s19 =	simm.s32 $0x300  }
0x5: {  	s20 =	simm.s32 $0x1;
	s21 =	simm.s32 $0xA0;
	s28 =	simm.s32 $0x3  }
0x6: {  	s29 =	simm.s32 $0x5;
	s30 =	simm.s32 $0x14400;
	s31 =	simm.s32 $0x4  }
0x7: {  	s12 =	simm.s32 $0x0;
	s1 =	sand.u32 $0x1, s1;
	s4 =	sshll.u32 s4, $0x1  }
0x8: {  	[smem:$0x7FF] =	sst s3;
	s5 =	sadd.s32 $0x7000, s0;
	s6 =	sadd.s32 $0xC00, s0  }
0x9: {  	s7 =	sadd.s32 $0xD400, s0;
	s4 =	sor.u32 s1, s4;
	s1 =	ssub.s32 $0x2, s1  }
0xa: {  	s8 =	sadd.s32 $0x193E00, s0;
	s4 =	smul.u32 $0x1900, s4;
	s9 =	sshrl.u32 s1, $0x1  }
0xb: {  	_ =	strace $0x80000047;
	s22 =	ssub.s32 s1, s9;
	s9 =	simm.s32 $0x19400  }
0xc: {  	s10 =	sshrl.u32 s4, $0x3;
	s13 =	sadd.s32 $0x140, s4;
	s14 =	sadd.s32 $0x1E0, s4  }
0xd: {  	s15 =	sor.u32 $0xA0, s4;
	s0 =	smax.u32 s22, $0x1;
	s23 =	sor.u32 $0x14, s10  }
0xe: {  	s24 =	sadd.s32 s5, s10;
	s25 =	sadd.s32 s6, s10;
	[dreg:$0x7] =	wrdreg s0  }
0xf: {  	s0 =	simm.s32 $0x6;
	s10 =	simm.s32 $0x7;
	[dreg:$0x3] =	wrdreg s24  }
0x10: {  	[dreg:$0x4] =	wrdreg s25;
	s26 =	sadd.s32 s5, s23;
	s1 =	sadd.s32 s6, s23  }
0x11: {  	s24 =	simm.s32 $0x2;
	s25 =	simm.s32 $0x5400;
	[dreg:$0x5] =	wrdreg s26  }
0x12: {  	[dreg:$0x6] =	wrdreg s1;
	s26 =	simm.s32 $0xF400;
	s1 =	simm.s32 $0x8  }
.LBB2_1:
0x13: {  	[dreg:$0x8] =	wrdreg s12  }
0x14: {  	s11 =	rddreg [dreg:$0x3]  }
0x15: {  	[tilespmem:s3], [sflag:$0x1] =	stream.linear.gather [hbm4b:s11+s3], $0xA0, $0x38;
	[tilespmem:$0x1E400] =	vst v63  }
0x16: {  	s23 =	rddreg [dreg:$0x4]  }
0x17: {  	[tilespmem:s17], [sflag:$0x1] =	stream.linear.gather [hbm4b:s23+s3], $0xA0, $0x38;
	[tilespmem:$0x1E400] =	vst v63  }
0x18: {  	s12 =	rddreg [dreg:$0x5]  }
0x19: {  	[tilespmem:s18], [sflag:$0x2] =	stream.linear.gather [hbm4b:s12+s3], $0xA0, $0x38;
	[tilespmem:$0x1E400] =	vst v63  }
0x1a: {  	s16 =	rddreg [dreg:$0x6]  }
0x1b: {  	[tilespmem:s19], [sflag:$0x2] =	stream.linear.gather [hbm4b:s16+s3], $0xA0, $0x38;
	[tilespmem:$0x1E400] =	vst v63  }
0x1c: {  	_ =	swait.ge [sflag:s20], $0xA0  }
0x1d: {  	[sflag:s20] =	ssyncset.done $0x0  }
0x1e: {  	[sflag:s20] =	ssyncadd.s32 $0xFFFFFF60  }
0x1f: {  	_ =	swait.ge [sflag:s20], $0xA0  }
0x20: {  	[sflag:s20] =	ssyncset.done $0x0  }
0x21: {  	s22 =	simm.s32 $0x400;
	[sflag:s20] =	ssyncadd.s32 $0xFFFFFF60  }
0x22: {  	[tilespmem:s22], [sflag:$0x3] =	stream.indirect.gather [hbm4b:s7+s21], $0x80, s3, s21, $0xb8;
	[tilespmem:$0x1E400] =	vst v63  }
0x23: {  	s23 =	simm.s32 $0xA400;
	s12 =	simm.s32 $0x0  }
0x24: {  	[tilespmem:s23], [sflag:$0x5] =	stream.indirect.gather [hbm4b:s8+s21], $0x80, s17, s21, $0xb8;
	[tilespmem:$0x1E400] =	vst v63  }
.LBB2_2:
0x25: {  	_ =	swait.ge [sflag:s24], $0xA0  }
0x26: {  	[sflag:s24] =	ssyncset.done $0x0  }
0x27: {  	[sflag:s24] =	ssyncadd.s32 $0xFFFFFF60  }
0x28: {  	_ =	swait.ge [sflag:s24], $0xA0  }
0x29: {  	[sflag:s24] =	ssyncset.done $0x0  }
0x2a: {  	[sflag:s24] =	ssyncadd.s32 $0xFFFFFF60  }
0x2b: {  	[tilespmem:s25], [sflag:$0x4] =	stream.indirect.gather [hbm4b:s7+s21], $0x80, s18, s21, $0xb8;
	[tilespmem:$0x1E400] =	vst v63  }
0x2c: {  	_ = 	snop  }
0x2d: {  	[tilespmem:s26], [sflag:$0x6] =	stream.indirect.gather [hbm4b:s8+s21], $0x80, s19, s21, $0xb8;
	[tilespmem:$0x1E400] =	vst v63  }
0x2e: {  	p0 =	seq.s32 s12, $0x13;
	_ =	swait.ge [sflag:s28], $0x5000  }
0x2f: {  	s11 =	smul.u32 @!p0 $0x140, s12;
	[sflag:s28] =	ssyncset.done $0x0  }
0x30: {  	p1 =	seq.s32 @!p0 s12, $0x0;
	[sflag:s28] =	ssyncadd.s32 $0xFFFFB000  }
0x31: {  	p1 =	por p0, !p1;
	s11 =	sadd.s32 @!p0 s11, s13;
	_ =	swait.ge [sflag:s29], $0x5000  }
.Ltmp0:
0x32: {  	s11 =	sshrl.u32 @!p0 s11, $0x3;
	[sflag:s29] =	ssyncset.done $0x0;
	(pc) =	sbr.rel @!p1 .LBB2_3-.Ltmp0, $4  }
0x33: {  	s22 =	simm.s32 @!p0 $0x0;
	s16 =	sadd.s32 @!p0 s5, s11;
	[sflag:s29] =	ssyncadd.s32 $0xFFFFB000  }
0x34: {  	[tilespmem:s22], [sflag:$0x1] =	stream.linear.gather @!p0 [hbm4b:s16+s22], $0xA0, $0x38;
	[tilespmem:$0x1E400] =	vst v63  }
0x35: {  	s11 =	sadd.s32 @!p0 s6, s11;
	s16 =	simm.s32 @!p0 $0x200  }
0x36: {  	[tilespmem:s16], [sflag:$0x1] =	stream.linear.gather @!p0 [hbm4b:s11+s22], $0xA0, $0x38;
	[tilespmem:$0x1E400] =	vst v63  }
.Ltmp1:
0x37: {  	(pc) =	sbr.rel .LBB2_5-.Ltmp1, $4  }
0x38: {  	_ = 	snop  }
0x39: {  	_ =	swait.ge [sflag:s10], $0x5000  }
0x3a: {  	[sflag:s10] =	ssyncset.done $0x0  }
0x3b: {  	p1 =	por $0x0, $0x0;
	[sflag:s10] =	ssyncadd.s32 $0xFFFFB000  }
.LBB2_3:
0x3c: {  	p1 =	por @!p0 $0x1, $0x1  }
.LBB2_5:
0x3d: {  	s16 =	simm.s32 $0x0  }
0x3e: {  	v0 =	vld [tilespmem:s16+$0x470]  }
0x3f: {  	v1 =	vld [tilespmem:s16+$0xA470]  }
0x40: {  	v2 =	vld [tilespmem:s16+$0x400]  }
0x41: {  	v3 =	vld [tilespmem:s16+$0xA400]  }
0x42: {  	v4 =	vld [tilespmem:s16+$0x410]  }
0x43: {  	v5 =	vld [tilespmem:s16+$0xA410]  }
0x44: {  	v6 =	vld [tilespmem:s16+$0x420]  }
0x45: {  	v0 =	vadd.f32 v1, v0;
	v1 =	vld [tilespmem:s16+$0xA420]  }
0x46: {  	v7 =	vld [tilespmem:s16+$0x430]  }
0x47: {  	v8 =	vld [tilespmem:s16+$0xA430];
	v2 =	vadd.f32 v3, v2  }
0x48: {  	v9 =	vld [tilespmem:s16+$0x440];
	v0 =	vmax.f32 v0, $0.0e+00  }
0x49: {  	[tilespmem:s16+$0x14470] =	vst v0;
	v0 =	vmax.f32 v2, $0.0e+00;
	v2 =	vadd.f32 v5, v4;
	v5 =	vld [tilespmem:s16+$0xA440]  }
0x4a: {  	v3 =	vld [tilespmem:s16+$0xA450];
	v1 =	vadd.f32 v1, v6  }
0x4b: {  	[tilespmem:s16+$0x14400] =	vst v0;
	v0 =	vld [tilespmem:s16+$0x450];
	v2 =	vmax.f32 v2, $0.0e+00  }
0x4c: {  	v4 =	vld [tilespmem:s16+$0xA460];
	v6 =	vadd.f32 v8, v7;
	[tilespmem:s16+$0x14410] =	vst v2;
	v2 =	vmax.f32 v1, $0.0e+00  }
0x4d: {  	s11 =	simm.s32 $0x80;
	v1 =	vld [tilespmem:s16+$0x460];
	[tilespmem:s16+$0x14420] =	vst v2  }
0x4e: {  	s22 =	simm.s32 $0x400;
	v6 =	vmax.f32 v6, $0.0e+00;
	v5 =	vadd.f32 v5, v9;
	v2 =	vld [tilespmem:s11+$0x470]  }
.LBB2_6:
0x4f: {  	p2 =	sne.s32 s22, $0x13E00;
	v7 =	vld [tilespmem:s11+$0xA470];
	[tilespmem:s16+$0x14430] =	vst v6  }
0x50: {  	v6 =	vld [tilespmem:s11+$0x400];
	v5 =	vmax.f32 v5, $0.0e+00;
	v0 =	vadd.f32 v3, v0  }
0x51: {  	v3 =	vld [tilespmem:s11+$0xA400];
	[tilespmem:s16+$0x14440] =	vst v5  }
0x52: {  	v5 =	vld [tilespmem:s11+$0x410];
	v0 =	vmax.f32 v0, $0.0e+00;
	v1 =	vadd.f32 v4, v1  }
0x53: {  	v4 =	vld [tilespmem:s11+$0xA410];
	[tilespmem:s16+$0x14450] =	vst v0  }
0x54: {  	v0 =	vld [tilespmem:s11+$0x420];
	v2 =	vadd.f32 v7, v2;
	v1 =	vmax.f32 v1, $0.0e+00  }
0x55: {  	v7 =	vld [tilespmem:s11+$0xA420];
	[tilespmem:s16+$0x14460] =	vst v1;
	s16 =	smov.u32 s11  }
0x56: {  	v1 =	vadd.f32 v3, v6;
	v6 =	vld [tilespmem:s16+$0x430];
	v2 =	vmax.f32 v2, $0.0e+00  }
0x57: {  	v8 =	vld [tilespmem:s16+$0xA430];
	[tilespmem:s16+$0x14470] =	vst v2  }
0x58: {  	v1 =	vmax.f32 v1, $0.0e+00;
	v2 =	vadd.f32 v4, v5;
	v5 =	vld [tilespmem:s16+$0x440]  }
0x59: {  	[tilespmem:s16+$0x14400] =	vst v1;
	v9 =	vld [tilespmem:s16+$0xA440]  }
.Ltmp2:
0x5a: {  	v1 =	vmax.f32 v2, $0.0e+00;
	v2 =	vadd.f32 v7, v0;
	v0 =	vld [tilespmem:s16+$0x450];
	(pc) =	sbr.rel @p2 .LBB2_6-.Ltmp2, $4  }
0x5b: {  	[tilespmem:s16+$0x14410] =	vst v1;
	v3 =	vld [tilespmem:s16+$0xA450]  }
0x5c: {  	v2 =	vmax.f32 v2, $0.0e+00;
	v6 =	vadd.f32 v8, v6;
	v1 =	vld [tilespmem:s16+$0x460]  }
0x5d: {  	s11 =	sshra.s32 s22, $0x2;
	[tilespmem:s16+$0x14420] =	vst v2;
	v4 =	vld [tilespmem:s16+$0xA460]  }
0x5e: {  	s22 =	sadd.s32 $0x200, s22;
	v2 =	vld [tilespmem:s11+$0x470];
	v6 =	vmax.f32 v6, $0.0e+00;
	v5 =	vadd.f32 v9, v5  }
0x5f: {  	v7 =	vld [tilespmem:s11+$0xA470];
	[tilespmem:s16+$0x14430] =	vst v6  }
0x60: {  	v6 =	vld [tilespmem:s11+$0x400];
	v5 =	vmax.f32 v5, $0.0e+00;
	v0 =	vadd.f32 v3, v0  }
0x61: {  	v8 =	vld [tilespmem:s11+$0xA400];
	[tilespmem:s16+$0x14440] =	vst v5  }
0x62: {  	v52 =	vld [tilespmem:s11+$0x410];
	v0 =	vmax.f32 v0, $0.0e+00;
	v1 =	vadd.f32 v4, v1  }
0x63: {  	v5 =	vld [tilespmem:s11+$0xA410];
	[tilespmem:s16+$0x14450] =	vst v0  }
0x64: {  	v0 =	vld [tilespmem:s11+$0x420];
	v1 =	vmax.f32 v1, $0.0e+00  }
0x65: {  	v53 =	vld [tilespmem:s11+$0xA420];
	[tilespmem:s16+$0x14460] =	vst v1  }
0x66: {  	v1 =	vld [tilespmem:s11+$0x430]  }
0x67: {  	v54 =	vld [tilespmem:s11+$0xA430]  }
0x68: {  	v56 =	vld [tilespmem:s11+$0x440]  }
0x69: {  	v57 =	vld [tilespmem:s11+$0xA440]  }
0x6a: {  	v58 =	vld [tilespmem:s11+$0x450]  }
0x6b: {  	v2 =	vadd.f32 v7, v2;
	v59 =	vld [tilespmem:s11+$0xA450]  }
0x6c: {  	v6 =	vadd.f32 v8, v6;
	v60 =	vld [tilespmem:s11+$0x460]  }
0x6d: {  	v2 =	vmax.f32 v2, $0.0e+00;
	v61 =	vld [tilespmem:s11+$0xA460];
	v3 =	vadd.f32 v5, v52  }
0x6e: {  	[tilespmem:s11+$0x14470] =	vst v2;
	v55 =	vmax.f32 v6, $0.0e+00;
	v0 =	vadd.f32 v53, v0  }
0x6f: {  	[tilespmem:s11+$0x14400] =	vst v55;
	v3 =	vmax.f32 v3, $0.0e+00;
	v1 =	vadd.f32 v54, v1  }
0x70: {  	[tilespmem:s11+$0x14410] =	vst v3;
	v0 =	vmax.f32 v0, $0.0e+00;
	v2 =	vadd.f32 v57, v56  }
0x71: {  	s16 =	smul.u32 $0x140, s12;
	v3 =	vadd.f32 v59, v58;
	[tilespmem:s11+$0x14420] =	vst v0;
	v1 =	vmax.f32 v1, $0.0e+00  }
.Ltmp3:
0x72: {  	v0 =	vadd.f32 v61, v60;
	v62 =	vmax.f32 v2, $0.0e+00;
	[tilespmem:s11+$0x14430] =	vst v1;
	(pc) =	sbr.rel @!p0 .LBB2_8-.Ltmp3, $4  }
0x73: {  	s22 =	sadd.s32 s4, s16;
	v63 =	vmax.f32 v3, $0.0e+00;
	[tilespmem:s11+$0x14440] =	vst v62  }
0x74: {  	s22 =	sshll.u32 s22, $0x4;
	[tilespmem:s11+$0x14450] =	vst v63;
	v0 =	vmax.f32 v0, $0.0e+00  }
0x75: {  	s23 =	sadd.s32 s2, s22;
	[tilespmem:s11+$0x14460] =	vst v0  }
0x76: {  	[hbm4b:s23+s3] =	stream.linear.scatter [tilespmem:s30], [sflag:$0x7], $0x5000, $0x38;
	[tilespmem:$0x1E400] =	vst v63  }
0x77: {  	_ =	swait.ge [sflag:s31], $0x5000  }
.Ltmp4:
0x78: {  	[sflag:s31] =	ssyncset.done $0x0;
	(pc) =	sbr.rel .LBB2_10-.Ltmp4, $4  }
0x79: {  	[sflag:s31] =	ssyncadd.s32 $0xFFFFB000  }
0x7a: {  	_ =	swait.ge [sflag:s0], $0x5000  }
0x7b: {  	[sflag:s0] =	ssyncset.done $0x0  }
0x7c: {  	[sflag:s0] =	ssyncadd.s32 $0xFFFFB000  }
.LBB2_8:
0x7d: {  	_ =	swait.ge [sflag:s20], $0xA0  }
0x7e: {  	[sflag:s20] =	ssyncset.done $0x0  }
0x7f: {  	[sflag:s20] =	ssyncadd.s32 $0xFFFFFF60  }
0x80: {  	_ =	swait.ge [sflag:s20], $0xA0  }
0x81: {  	[sflag:s20] =	ssyncset.done $0x0  }
0x82: {  	s11 =	simm.s32 $0x400;
	[sflag:s20] =	ssyncadd.s32 $0xFFFFFF60  }
0x83: {  	[tilespmem:s11], [sflag:$0x3] =	stream.indirect.gather [hbm4b:s7+s21], $0x80, s3, s21, $0xb8;
	[tilespmem:$0x1E400] =	vst v63  }
0x84: {  	s22 =	simm.s32 $0xA400  }
0x85: {  	[tilespmem:s22], [sflag:$0x5] =	stream.indirect.gather [hbm4b:s8+s21], $0x80, s17, s21, $0xb8;
	[tilespmem:$0x1E400] =	vst v63  }
0x86: {  	_ =	swait.ge [sflag:s31], $0x5000  }
0x87: {  	[sflag:s31] =	ssyncset.done $0x0  }
0x88: {  	[sflag:s31] =	ssyncadd.s32 $0xFFFFB000  }
0x89: {  	s23 =	sadd.s32 s16, s14;
	_ =	swait.ge [sflag:s0], $0x5000  }
.Ltmp5:
0x8a: {  	s11 =	sshrl.u32 s23, $0x3;
	[sflag:s0] =	ssyncset.done $0x0;
	(pc) =	sbr.rel @p1 .LBB2_11-.Ltmp5, $4  }
0x8b: {  	s22 =	sadd.s32 s5, s11;
	[sflag:s0] =	ssyncadd.s32 $0xFFFFB000  }
0x8c: {  	[tilespmem:s18], [sflag:$0x2] =	stream.linear.gather [hbm4b:s22+s3], $0xA0, $0x38;
	[tilespmem:$0x1E400] =	vst v63  }
0x8d: {  	s11 =	sadd.s32 s6, s11  }
0x8e: {  	[tilespmem:s19], [sflag:$0x2] =	stream.linear.gather [hbm4b:s11+s3], $0xA0, $0x38;
	[tilespmem:$0x1E400] =	vst v63  }
.LBB2_10:
0x8f: {  	_ =	swait.ge [sflag:s1], $0x5000  }
0x90: {  	[sflag:s1] =	ssyncset.done $0x0  }
0x91: {  	[sflag:s1] =	ssyncadd.s32 $0xFFFFB000  }
.LBB2_11:
0x92: {  	s11 =	simm.s32 $0x0  }
0x93: {  	v0 =	vld [tilespmem:s11+$0x5470]  }
0x94: {  	v1 =	vld [tilespmem:s11+$0xF470]  }
0x95: {  	v2 =	vld [tilespmem:s11+$0x5400]  }
0x96: {  	v3 =	vld [tilespmem:s11+$0xF400]  }
0x97: {  	v4 =	vld [tilespmem:s11+$0x5410]  }
0x98: {  	v5 =	vld [tilespmem:s11+$0xF410]  }
0x99: {  	v6 =	vld [tilespmem:s11+$0x5420]  }
0x9a: {  	v0 =	vadd.f32 v1, v0;
	v1 =	vld [tilespmem:s11+$0xF420]  }
0x9b: {  	v7 =	vld [tilespmem:s11+$0x5430]  }
0x9c: {  	v8 =	vld [tilespmem:s11+$0xF430];
	v2 =	vadd.f32 v3, v2  }
0x9d: {  	v9 =	vld [tilespmem:s11+$0x5440];
	v0 =	vmax.f32 v0, $0.0e+00  }
0x9e: {  	[tilespmem:s11+$0x19470] =	vst v0;
	v0 =	vmax.f32 v2, $0.0e+00;
	v2 =	vadd.f32 v5, v4;
	v5 =	vld [tilespmem:s11+$0xF440]  }
0x9f: {  	v3 =	vld [tilespmem:s11+$0xF450];
	v1 =	vadd.f32 v1, v6  }
0xa0: {  	[tilespmem:s11+$0x19400] =	vst v0;
	v0 =	vld [tilespmem:s11+$0x5450];
	v2 =	vmax.f32 v2, $0.0e+00  }
0xa1: {  	v4 =	vld [tilespmem:s11+$0xF460];
	v6 =	vadd.f32 v8, v7;
	[tilespmem:s11+$0x19410] =	vst v2;
	v2 =	vmax.f32 v1, $0.0e+00  }
0xa2: {  	s22 =	simm.s32 $0x80;
	v1 =	vld [tilespmem:s11+$0x5460];
	[tilespmem:s11+$0x19420] =	vst v2  }
0xa3: {  	s23 =	simm.s32 $0x400;
	v6 =	vmax.f32 v6, $0.0e+00;
	v5 =	vadd.f32 v5, v9;
	v2 =	vld [tilespmem:s22+$0x5470]  }
.LBB2_12:
0xa4: {  	p0 =	sne.s32 s23, $0x13E00;
	v7 =	vld [tilespmem:s22+$0xF470];
	[tilespmem:s11+$0x19430] =	vst v6  }
0xa5: {  	v6 =	vld [tilespmem:s22+$0x5400];
	v5 =	vmax.f32 v5, $0.0e+00;
	v0 =	vadd.f32 v3, v0  }
0xa6: {  	v3 =	vld [tilespmem:s22+$0xF400];
	[tilespmem:s11+$0x19440] =	vst v5  }
0xa7: {  	v5 =	vld [tilespmem:s22+$0x5410];
	v0 =	vmax.f32 v0, $0.0e+00;
	v1 =	vadd.f32 v4, v1  }
0xa8: {  	v4 =	vld [tilespmem:s22+$0xF410];
	[tilespmem:s11+$0x19450] =	vst v0  }
0xa9: {  	v0 =	vld [tilespmem:s22+$0x5420];
	v2 =	vadd.f32 v7, v2;
	v1 =	vmax.f32 v1, $0.0e+00  }
0xaa: {  	v7 =	vld [tilespmem:s22+$0xF420];
	[tilespmem:s11+$0x19460] =	vst v1;
	s11 =	smov.u32 s22  }
0xab: {  	v1 =	vadd.f32 v3, v6;
	v6 =	vld [tilespmem:s11+$0x5430];
	v2 =	vmax.f32 v2, $0.0e+00  }
0xac: {  	v8 =	vld [tilespmem:s11+$0xF430];
	[tilespmem:s11+$0x19470] =	vst v2  }
0xad: {  	v1 =	vmax.f32 v1, $0.0e+00;
	v2 =	vadd.f32 v4, v5;
	v5 =	vld [tilespmem:s11+$0x5440]  }
0xae: {  	[tilespmem:s11+$0x19400] =	vst v1;
	v9 =	vld [tilespmem:s11+$0xF440]  }
.Ltmp6:
0xaf: {  	v1 =	vmax.f32 v2, $0.0e+00;
	v2 =	vadd.f32 v7, v0;
	v0 =	vld [tilespmem:s11+$0x5450];
	(pc) =	sbr.rel @p0 .LBB2_12-.Ltmp6, $4  }
0xb0: {  	[tilespmem:s11+$0x19410] =	vst v1;
	v3 =	vld [tilespmem:s11+$0xF450]  }
0xb1: {  	v2 =	vmax.f32 v2, $0.0e+00;
	v6 =	vadd.f32 v8, v6;
	v1 =	vld [tilespmem:s11+$0x5460]  }
0xb2: {  	s22 =	sshra.s32 s23, $0x2;
	[tilespmem:s11+$0x19420] =	vst v2;
	v4 =	vld [tilespmem:s11+$0xF460]  }
0xb3: {  	s23 =	sadd.s32 $0x200, s23;
	v2 =	vld [tilespmem:s22+$0x5470];
	v6 =	vmax.f32 v6, $0.0e+00;
	v5 =	vadd.f32 v9, v5  }
0xb4: {  	v7 =	vld [tilespmem:s22+$0xF470];
	[tilespmem:s11+$0x19430] =	vst v6  }
0xb5: {  	v6 =	vld [tilespmem:s22+$0x5400];
	v5 =	vmax.f32 v5, $0.0e+00;
	v0 =	vadd.f32 v3, v0  }
0xb6: {  	v8 =	vld [tilespmem:s22+$0xF400];
	[tilespmem:s11+$0x19440] =	vst v5  }
0xb7: {  	v52 =	vld [tilespmem:s22+$0x5410];
	v0 =	vmax.f32 v0, $0.0e+00;
	v1 =	vadd.f32 v4, v1  }
0xb8: {  	v5 =	vld [tilespmem:s22+$0xF410];
	[tilespmem:s11+$0x19450] =	vst v0  }
0xb9: {  	v0 =	vld [tilespmem:s22+$0x5420];
	v1 =	vmax.f32 v1, $0.0e+00  }
0xba: {  	v53 =	vld [tilespmem:s22+$0xF420];
	[tilespmem:s11+$0x19460] =	vst v1  }
0xbb: {  	v1 =	vld [tilespmem:s22+$0x5430]  }
0xbc: {  	v54 =	vld [tilespmem:s22+$0xF430]  }
0xbd: {  	v56 =	vld [tilespmem:s22+$0x5440]  }
0xbe: {  	v57 =	vld [tilespmem:s22+$0xF440]  }
0xbf: {  	v58 =	vld [tilespmem:s22+$0x5450]  }
0xc0: {  	v2 =	vadd.f32 v7, v2;
	v59 =	vld [tilespmem:s22+$0xF450]  }
0xc1: {  	v6 =	vadd.f32 v8, v6;
	v60 =	vld [tilespmem:s22+$0x5460]  }
0xc2: {  	v2 =	vmax.f32 v2, $0.0e+00;
	v61 =	vld [tilespmem:s22+$0xF460];
	v3 =	vadd.f32 v5, v52  }
0xc3: {  	[tilespmem:s22+$0x19470] =	vst v2;
	v55 =	vmax.f32 v6, $0.0e+00;
	v0 =	vadd.f32 v53, v0  }
0xc4: {  	[tilespmem:s22+$0x19400] =	vst v55;
	v3 =	vmax.f32 v3, $0.0e+00;
	v1 =	vadd.f32 v54, v1  }
0xc5: {  	s12 =	sadd.s32 $0x1, s12;
	[tilespmem:s22+$0x19410] =	vst v3;
	v0 =	vmax.f32 v0, $0.0e+00;
	v2 =	vadd.f32 v57, v56  }
0xc6: {  	p0 =	sne.s32 s12, $0x14;
	v3 =	vadd.f32 v59, v58;
	[tilespmem:s22+$0x19420] =	vst v0;
	v1 =	vmax.f32 v1, $0.0e+00  }
.Ltmp7:
0xc7: {  	v0 =	vadd.f32 v61, v60;
	v62 =	vmax.f32 v2, $0.0e+00;
	[tilespmem:s22+$0x19430] =	vst v1;
	(pc) =	sbr.rel @p0 .LBB2_2-.Ltmp7, $4  }
0xc8: {  	s23 =	sadd.s32 s16, s15;
	v63 =	vmax.f32 v3, $0.0e+00;
	[tilespmem:s22+$0x19440] =	vst v62  }
0xc9: {  	s11 =	sshll.u32 s23, $0x4;
	[tilespmem:s22+$0x19450] =	vst v63;
	v0 =	vmax.f32 v0, $0.0e+00  }
0xca: {  	s11 =	sadd.s32 s2, s11;
	[tilespmem:s22+$0x19460] =	vst v0  }
0xcb: {  	[hbm4b:s11+s3] =	stream.linear.scatter [tilespmem:s9], [sflag:$0x8], $0x5000, $0x38;
	[tilespmem:$0x1E400] =	vst v63  }
0xcc: {  	_ =	swait.ge [sflag:s10], $0x5000  }
0xcd: {  	[sflag:s10] =	ssyncset.done $0x0  }
0xce: {  	[sflag:s10] =	ssyncadd.s32 $0xFFFFB000  }
0xcf: {  	_ =	swait.ge [sflag:s1], $0x5000  }
0xd0: {  	s12 =	rddreg [dreg:$0x8]  }
0xd1: {  	s11 =	rddreg [dreg:$0x7];
	s12 =	sadd.s32 $0x1, s12  }
0xd2: {  	p0 =	sne.s32 s12, s11  }
.Ltmp8:
0xd3: {  	_ = 	snop;
	(pc) =	sbr.rel @p0 .LBB2_1-.Ltmp8, $3  }
0xd4: {  	_ =	sdelay $0x1  }
0xd5: {  	[sflag:s1] =	ssyncset.done $0x0  }
0xd6: {  	[sflag:s1] =	ssyncadd.s32 $0xFFFFB000  }
0xd7: {  	_ =	sfence.sel $0x180000  }
0xd8: {  	[bflag:$0x0] =	sbarrier.arrive $0xFFFF  }
0xd9: {  	_ =	strace $0x90000047  }
0xda: {  	s0 =	stileid.u32;
	[bflag:$0x2] =	sbarrier.arrive $0xFFFF  }
0xdb: {  	p0 =	sne.s32 s0, $0x0;
	s0 =	rddreg [dreg:$0x2]  }
0xdc: {  	s0 =	sadd.s32 @!p0 $0x100000, s0  }
0xdd: {  	[sflag:s0] =	ssyncadd.tile.s32 @!p0 $0x1;
	_ =	shalt  }
.Lfunc_end2:
_tile_overlayer_lowered:
.L_overlay_start_2:
0xde: {  	(tag) =	ssettag $0x2  }
0xdf: {  	s0 =	rddreg [dreg:$0x0];
	s2 =	stileid.u32  }
0xe0: {  	s1 =	rddreg [dreg:$0x1];
	p0 =	sne.s32 s2, $0x0  }
0xe1: {  	s3 =	rddreg [dreg:$0x2];
	[bflag:$0x3] =	sbarrier.arrive $0xFFFF;
	s2 =	simm.s32 @!p0 $0x1C09  }
0xe2: {  	[timem:s3], [sflag:s2] =	dma.local @!p0 [hbm:s0], s1  }
0xe3: {  	s0 =	simm.s32 @!p0 $0x9  }
0xe4: {  	_ =	swait.ge @!p0 [sflag:s0], s1  }
0xe5: {  	s1 =	ssub.s32 @!p0 $0x0, s1;
	[sflag:s0] =	ssyncset.done @!p0 $0x0  }
0xe6: {  	[sflag:s0] =	ssyncadd.s32 @!p0 s1  }
0xe7: {  	[bflag:$0x3] =	sbarrier.arrive $0xFFFF  }
0xe8: {  	_ =	shalt  }

</sc_bundles>
